<compile_context>
chip_gen: v7x
topology: tpu7x:2x2x1
jax: 0.10.2.dev20260603
libtpu: 0.0.44.dev20260713+nightly
codegen_flags: <defaults>
</compile_context>

<pallas_src>
import functools

import numpy as np
import jax
import jax.numpy as jnp
from jax import lax
from jax.experimental import pallas as pl
from jax.experimental.pallas import tpu as pltpu
from jax.experimental.pallas import tpu_sc as plsc

N = 10000
E = 320000
D = 128
C = 8
DEGW = 32
NPAD = 10016
NC, NS = 2, 16
NW = NC * NS
CHUNK = 128
EROWS = 2560
RPT = EROWS // NW
SLICE = NPAD // NS
NBUF = 5


def _prep_body(x_ref, wbb_ref, p_ref, xwa_ref, sumx_ref, counts_ref):
    x = x_ref[...]
    xw = jnp.dot(x, wbb_ref[...], preferred_element_type=jnp.float32)
    xwa_ref[...] = xw.astype(jnp.bfloat16)
    oh = (p_ref[...] == lax.broadcasted_iota(jnp.int32, (1, C), 1)).astype(jnp.float32)
    dn = (((0,), (0,)), ((), ()))
    sumx_ref[...] = lax.dot_general(oh, x, dn, preferred_element_type=jnp.float32)
    counts_ref[...] = lax.dot_general(
        oh, jnp.ones_like(x), dn, preferred_element_type=jnp.float32
    )


_prep = pl.pallas_call(
    _prep_body,
    out_shape=[
        jax.ShapeDtypeStruct((N, D), jnp.bfloat16),
        jax.ShapeDtypeStruct((C, D), jnp.float32),
        jax.ShapeDtypeStruct((C, D), jnp.float32),
    ],
)


def _sc_agg_body(xwa, src3d, dst3d, zf, zd, ones_h, out, outd, src_v, dst_v,
                 ones_v, b0, b1, b2, b3, b4, aggs, degs,
                 g0, g1, g2, g3, g4, s0, s1, s2, s3, s4,
                 d0, d1, d2, d3, d4):
    cid = lax.axis_index("c")
    sid = lax.axis_index("s")
    wid = cid * NS + sid
    bufs = [b0, b1, b2, b3, b4]
    gsem = [g0, g1, g2, g3, g4]
    ssem = [s0, s1, s2, s3, s4]
    dsem = [d0, d1, d2, d3, d4]
    pltpu.sync_copy(zf, aggs.at[pl.ds(sid * SLICE, SLICE)])
    pltpu.sync_copy(zd, degs.at[pl.ds(sid * SLICE, SLICE)])
    pltpu.sync_copy(ones_h, ones_v)
    pltpu.sync_copy(src3d.at[:, wid], src_v)
    pltpu.sync_copy(dst3d.at[:, wid], dst_v)
    plsc.subcore_barrier()

    def gather(c, k):
        pltpu.async_copy(xwa.at[src_v.at[c]], bufs[k], gsem[k])

    def wait_gather(c, k):
        pltpu.make_async_copy(xwa.at[src_v.at[c]], bufs[k], gsem[k]).wait()

    def scatter(c, k):
        pltpu.async_copy(bufs[k], aggs.at[dst_v.at[c]], ssem[k], add=True)
        pltpu.async_copy(ones_v, degs.at[dst_v.at[c]], dsem[k], add=True)

    def wait_scatter(k):
        pltpu.make_async_copy(bufs[k], aggs.at[dst_v.at[0]], ssem[k]).wait()
        pltpu.make_async_copy(ones_v, degs.at[dst_v.at[0]], dsem[k]).wait()

    for c in range(NBUF - 1):
        gather(c, c)
    wait_gather(0, 0)
    scatter(0, 0)
    gather(NBUF - 1, NBUF - 1)
    for k in range(1, NBUF):
        wait_gather(k, k)
        scatter(k, k)
        wait_scatter((k + NBUF - 1) % NBUF)
        gather(k + NBUF - 1, (k + NBUF - 1) % NBUF)

    @pl.loop(NBUF, RPT, step=NBUF)
    def _block(j):
        for k in range(NBUF):
            c = j + k
            wait_gather(c, k)
            scatter(c, k)

            @pl.when(c + NBUF - 1 < RPT)
            def _():
                wait_scatter((k + NBUF - 1) % NBUF)
                gather(c + NBUF - 1, (k + NBUF - 1) % NBUF)

    for k in range(NBUF):
        wait_scatter(k)

    plsc.subcore_barrier()
    rows = pl.ds(sid * SLICE, SLICE)
    pltpu.sync_copy(aggs.at[rows], out.at[cid].at[rows])
    pltpu.sync_copy(degs.at[rows], outd.at[cid].at[rows])


@functools.cache
def _sc_agg():
    return pl.kernel(
        _sc_agg_body,
        out_type=[
            jax.ShapeDtypeStruct((NC, NPAD, D), jnp.bfloat16),
            jax.ShapeDtypeStruct((NC, NPAD, DEGW), jnp.bfloat16),
        ],
        name="edge_agg_sc",
        mesh=plsc.VectorSubcoreMesh(core_axis_name="c", subcore_axis_name="s"),
        scratch_types=[
            pltpu.VMEM((RPT, CHUNK), jnp.int32),
            pltpu.VMEM((RPT, CHUNK), jnp.int32),
            pltpu.VMEM((CHUNK, DEGW), jnp.bfloat16),
            pltpu.VMEM((CHUNK, D), jnp.bfloat16),
            pltpu.VMEM((CHUNK, D), jnp.bfloat16),
            pltpu.VMEM((CHUNK, D), jnp.bfloat16),
            pltpu.VMEM((CHUNK, D), jnp.bfloat16),
            pltpu.VMEM((CHUNK, D), jnp.bfloat16),
            pltpu.VMEM_SHARED((NPAD, D), jnp.bfloat16),
            pltpu.VMEM_SHARED((NPAD, DEGW), jnp.bfloat16),
        ] + [pltpu.SemaphoreType.DMA] * (3 * NBUF),
        compiler_params=pltpu.CompilerParams(use_tc_tiling_on_sc=False),
    )


def _epi_body(part_ref, partd_ref, p_ref, sumx_ref, counts_ref,
              wp_ref, wbc_ref, wcb_ref, wcc_ref, wh_ref, out_ref):
    sumx = sumx_ref[...]
    cnt = jnp.maximum(counts_ref[...], 1.0)
    cmean = sumx / cnt
    centroid_x = jax.nn.relu(jnp.dot(cmean, wp_ref[...], preferred_element_type=jnp.float32))
    cwcb = jnp.dot(centroid_x, wcb_ref[...], preferred_element_type=jnp.float32)
    b2c = jnp.dot(cmean, wbc_ref[...], preferred_element_type=jnp.float32)
    cc = jnp.dot(
        (jnp.sum(centroid_x, axis=0, keepdims=True) - centroid_x) / (C - 1),
        wcc_ref[...], preferred_element_type=jnp.float32,
    )
    cent_emb = centroid_x + jax.nn.relu(b2c + cc)
    cent_mean = jnp.sum(cent_emb, axis=0, keepdims=True) / C

    a = (part_ref[0, :N, :].astype(jnp.float32)
         + part_ref[1, :N, :].astype(jnp.float32))
    ad = (partd_ref[0, :N, 0:1].astype(jnp.float32)
          + partd_ref[1, :N, 0:1].astype(jnp.float32))
    deg = jnp.maximum(ad, 1.0)
    bb = a / deg
    oh = (p_ref[...] == lax.broadcasted_iota(jnp.int32, (1, C), 1)).astype(jnp.float32)
    c2b = jnp.dot(oh, cwcb, preferred_element_type=jnp.float32)
    s = jax.nn.relu(bb + c2b)
    base_sum = jnp.sum(s, axis=0, keepdims=True)
    mean_x = jnp.sum(sumx, axis=0, keepdims=True) / N
    base_mean = mean_x + base_sum / N

    g = jnp.dot(
        jnp.concatenate([base_mean, cent_mean], axis=1),
        wh_ref[...], preferred_element_type=jnp.float32,
    )
    out_ref[...] = g


_epi = pl.pallas_call(
    _epi_body,
    out_shape=jax.ShapeDtypeStruct((1, D), jnp.float32),
)


def kernel(x, edge_index, partition, Wp, Wbb, Wbc, Wcb, Wcc, Wh):
    p2 = partition.reshape(N, 1)
    src = edge_index[0]
    dst = edge_index[1]
    npad_e = EROWS * CHUNK - E
    sink = N + (jnp.arange(npad_e, dtype=jnp.int32) % (NPAD - N))
    src3d = jnp.concatenate(
        [src, jnp.zeros((npad_e,), jnp.int32)]).reshape(RPT, NW, CHUNK)
    dst3d = jnp.concatenate([dst, sink]).reshape(RPT, NW, CHUNK)
    zf = jnp.zeros((SLICE, D), jnp.bfloat16)
    zd = jnp.zeros((SLICE, DEGW), jnp.bfloat16)
    ones_h = jnp.where(
        lax.broadcasted_iota(jnp.int32, (CHUNK, DEGW), 1) == 0, 1.0, 0.0
    ).astype(jnp.bfloat16)

    xwa, sumx, counts = _prep(x, Wbb, p2)
    part, partd = _sc_agg()(xwa, src3d, dst3d, zf, zd, ones_h)
    g = _epi(part, partd, p2, sumx, counts, Wp, Wbc, Wcb, Wcc, Wh)
    return g.reshape(D)

# --- scband reference (transcript-rebuilt; emitter-appended) ---
"""Pipeline reference for scband-hybrid-model-49495203119608 (READ-ONLY COPY).

The authoritative reference and input builder live on the scoring server;
editing this copy changes nothing except your own understanding.
"""

import jax, jax.numpy as jnp
import numpy as np

N_NODES = 10000
N_EDGES = 320000
D = 128
N_CENTROIDS = 8

def setup_inputs(seed: int = 0) -> dict:
    key = jax.random.key(seed)
    ks = jax.random.split(key, 9)
    x = jax.random.normal(ks[0], (N_NODES, D), dtype=jnp.float32)
    edge_index = jax.random.randint(ks[1], (2, N_EDGES), 0, N_NODES, dtype=jnp.int32)
    partition = jax.random.randint(ks[2], (N_NODES,), 0, N_CENTROIDS, dtype=jnp.int32)
    Wp = jax.random.normal(ks[3], (D, D), dtype=jnp.float32) * 0.05
    Wbb = jax.random.normal(ks[4], (D, D), dtype=jnp.float32) * 0.05
    Wbc = jax.random.normal(ks[5], (D, D), dtype=jnp.float32) * 0.05
    Wcb = jax.random.normal(ks[6], (D, D), dtype=jnp.float32) * 0.05
    Wcc = jax.random.normal(ks[7], (D, D), dtype=jnp.float32) * 0.05
    Wh = jax.random.normal(ks[8], (2 * D, D), dtype=jnp.float32) * 0.05
    return {"x": x, "edge_index": edge_index, "partition": partition,
            "Wp": Wp, "Wbb": Wbb, "Wbc": Wbc, "Wcb": Wcb, "Wcc": Wcc, "Wh": Wh}


def reference(x, edge_index, partition, Wp, Wbb, Wbc, Wcb, Wcc, Wh):
    n_nodes, d = x.shape
    C = N_CENTROIDS
    ones_n = jnp.ones((n_nodes,), dtype=x.dtype)
    counts = jnp.maximum(jax.ops.segment_sum(ones_n, partition, num_segments=C), 1.0)
    # base2centroid_model: node_mask (one-hot partition) weighted mean pooling + linear + relu
    centroid_x = jax.ops.segment_sum(x, partition, num_segments=C) / counts[:, None]
    centroid_x = jax.nn.relu(centroid_x @ Wp)
    # hetero GNN layer over the constructed HeteroData
    src = edge_index[0]
    dst = edge_index[1]
    # base__to__base: transform-then-propagate (mean aggregation over 320k edges)
    xW = x @ Wbb
    msg = jnp.take(xW, src, axis=0)
    agg = jax.ops.segment_sum(msg, dst, num_segments=n_nodes)
    deg = jnp.maximum(jax.ops.segment_sum(jnp.ones_like(dst, dtype=x.dtype), dst, num_segments=n_nodes), 1.0)
    base_bb = agg / deg[:, None]
    # centroid__to__base: edge_weight = node_mask, so each node receives its own centroid's feature
    c2b = jnp.take(centroid_x, partition, axis=0) @ Wcb
    # base__to__centroid: mask-weighted mean of node features
    b2c = jax.ops.segment_sum(x @ Wbc, partition, num_segments=C) / counts[:, None]
    # centroid__to__centroid: fully connected minus self-loops (triu+tril indices)
    cc = ((jnp.sum(centroid_x, axis=0, keepdims=True) - centroid_x) / (C - 1)) @ Wcc
    base_out = jax.nn.relu(base_bb + c2b)
    cent_out = jax.nn.relu(b2c + cc)
    # jk_func = sum over [input_embedding, layer_output]
    base_emb = x + base_out
    cent_emb = centroid_x + cent_out
    # pred_head: graph-level mean pooling of base and centroid embeddings, concat, linear
    g = jnp.concatenate([jnp.mean(base_emb, axis=0), jnp.mean(cent_emb, axis=0)]) @ Wh
    return g

if __name__ == "__main__":
    import jax
    _d = setup_inputs()
    print(jax.jit(kernel)(*tuple(_d.values())))

</pallas_src>

<mosaic_0001>
#map = affine_map<(d0, d1) -> (0, 0)>
#map1 = affine_map<(d0, d1) -> (0, 0, 0)>
module attributes {stable_mosaic.version = 14 : i64} {
  func.func @edge_agg_sc(%arg0: i32, %arg1: i32, %arg2: memref<10000x128xbf16, #tpu.memory_space<hbm>>, %arg3: memref<80x32x128xi32, #tpu.memory_space<hbm>>, %arg4: memref<80x32x128xi32, #tpu.memory_space<hbm>>, %arg5: memref<626x128xbf16, #tpu.memory_space<hbm>>, %arg6: memref<626x32xbf16, #tpu.memory_space<hbm>>, %arg7: memref<128x32xbf16, #tpu.memory_space<hbm>>, %arg8: memref<2x10016x128xbf16, #tpu.memory_space<hbm>>, %arg9: memref<2x10016x32xbf16, #tpu.memory_space<hbm>>, %arg10: memref<80x128xi32, #tpu.memory_space<vmem>>, %arg11: memref<80x128xi32, #tpu.memory_space<vmem>>, %arg12: memref<128x32xbf16, #tpu.memory_space<vmem>>, %arg13: memref<128x128xbf16, #tpu.memory_space<vmem>>, %arg14: memref<128x128xbf16, #tpu.memory_space<vmem>>, %arg15: memref<128x128xbf16, #tpu.memory_space<vmem>>, %arg16: memref<128x128xbf16, #tpu.memory_space<vmem>>, %arg17: memref<128x128xbf16, #tpu.memory_space<vmem>>, %arg18: memref<10016x128xbf16, #tpu.memory_space<vmem_shared>>, %arg19: memref<10016x32xbf16, #tpu.memory_space<vmem_shared>>, %arg20: memref<!tpu.dma_semaphore, #tpu.memory_space<semaphore_mem>>, %arg21: memref<!tpu.dma_semaphore, #tpu.memory_space<semaphore_mem>>, %arg22: memref<!tpu.dma_semaphore, #tpu.memory_space<semaphore_mem>>, %arg23: memref<!tpu.dma_semaphore, #tpu.memory_space<semaphore_mem>>, %arg24: memref<!tpu.dma_semaphore, #tpu.memory_space<semaphore_mem>>, %arg25: memref<!tpu.dma_semaphore, #tpu.memory_space<semaphore_mem>>, %arg26: memref<!tpu.dma_semaphore, #tpu.memory_space<semaphore_mem>>, %arg27: memref<!tpu.dma_semaphore, #tpu.memory_space<semaphore_mem>>, %arg28: memref<!tpu.dma_semaphore, #tpu.memory_space<semaphore_mem>>, %arg29: memref<!tpu.dma_semaphore, #tpu.memory_space<semaphore_mem>>, %arg30: memref<!tpu.dma_semaphore, #tpu.memory_space<semaphore_mem>>, %arg31: memref<!tpu.dma_semaphore, #tpu.memory_space<semaphore_mem>>, %arg32: memref<!tpu.dma_semaphore, #tpu.memory_space<semaphore_mem>>, %arg33: memref<!tpu.dma_semaphore, #tpu.memory_space<semaphore_mem>>, %arg34: memref<!tpu.dma_semaphore, #tpu.memory_space<semaphore_mem>>) attributes {dimension_semantics = [#tpu.dimension_semantics<core_parallel>, #tpu.dimension_semantics<subcore_parallel>], iteration_bounds = array<i64: 2, 16>, scalar_prefetch = 0 : i64, scratch_operands = 25 : i64, tpu.core_type = #tpu.core_type<sc_vector_subcore>, window_params = [{transform_indices = #map}, {transform_indices = #map1}, {transform_indices = #map1}, {transform_indices = #map}, {transform_indices = #map}, {transform_indices = #map}, {transform_indices = #map1}, {transform_indices = #map1}]} {
    %mul3A = arith.constant 16 : i32
    %mul3A_0 = arith.muli %arg0, %mul3A : i32
    %add3A = arith.addi %mul3A_0, %arg1 : i32
    %mul3A_1 = arith.constant 626 : i32
    %mul3A_2 = arith.muli %arg1, %mul3A_1 : i32
    "tpu.region"() ({
      %run_scoped3A = tpu.sem_alloc : memref<!tpu.dma_semaphore, #tpu.memory_space<semaphore_mem>>
      %dma_start3A_304 = arith.constant 0 : i32
      %dma_start3A_305 = tpu.memref_slice %arg18[%mul3A_2, %dma_start3A_304] : memref<10016x128xbf16, #tpu.memory_space<vmem_shared>> -> memref<626x128xbf16, #tpu.memory_space<vmem_shared>>
      tpu.enqueue_dma source(%arg5 : memref<626x128xbf16, #tpu.memory_space<hbm>>) target(%dma_start3A_305 : memref<626x128xbf16, #tpu.memory_space<vmem_shared>>) target_semaphore(%run_scoped3A : memref<!tpu.dma_semaphore, #tpu.memory_space<semaphore_mem>>)
      %dma_wait3A_306 = arith.constant 0 : i32
      %dma_wait3A_307 = tpu.memref_slice %arg18[%mul3A_2, %dma_wait3A_306] : memref<10016x128xbf16, #tpu.memory_space<vmem_shared>> -> memref<626x128xbf16, #tpu.memory_space<vmem_shared>>
      tpu.wait_dma2 semaphore(%run_scoped3A : memref<!tpu.dma_semaphore, #tpu.memory_space<semaphore_mem>>) src(%arg5 : memref<626x128xbf16, #tpu.memory_space<hbm>>) dst(%dma_wait3A_307 : memref<626x128xbf16, #tpu.memory_space<vmem_shared>>)
      tpu.yield
    }) : () -> ()
    %mul3A_3 = arith.constant 626 : i32
    %mul3A_4 = arith.muli %arg1, %mul3A_3 : i32
    "tpu.region"() ({
      %run_scoped3A = tpu.sem_alloc : memref<!tpu.dma_semaphore, #tpu.memory_space<semaphore_mem>>
      %dma_start3A_304 = arith.constant 0 : i32
      %dma_start3A_305 = tpu.memref_slice %arg19[%mul3A_4, %dma_start3A_304] : memref<10016x32xbf16, #tpu.memory_space<vmem_shared>> -> memref<626x32xbf16, #tpu.memory_space<vmem_shared>>
      tpu.enqueue_dma source(%arg6 : memref<626x32xbf16, #tpu.memory_space<hbm>>) target(%dma_start3A_305 : memref<626x32xbf16, #tpu.memory_space<vmem_shared>>) target_semaphore(%run_scoped3A : memref<!tpu.dma_semaphore, #tpu.memory_space<semaphore_mem>>)
      %dma_wait3A_306 = arith.constant 0 : i32
      %dma_wait3A_307 = tpu.memref_slice %arg19[%mul3A_4, %dma_wait3A_306] : memref<10016x32xbf16, #tpu.memory_space<vmem_shared>> -> memref<626x32xbf16, #tpu.memory_space<vmem_shared>>
      tpu.wait_dma2 semaphore(%run_scoped3A : memref<!tpu.dma_semaphore, #tpu.memory_space<semaphore_mem>>) src(%arg6 : memref<626x32xbf16, #tpu.memory_space<hbm>>) dst(%dma_wait3A_307 : memref<626x32xbf16, #tpu.memory_space<vmem_shared>>)
      tpu.yield
    }) : () -> ()
    "tpu.region"() ({
      %run_scoped3A = tpu.sem_alloc : memref<!tpu.dma_semaphore, #tpu.memory_space<semaphore_mem>>
      tpu.enqueue_dma source(%arg7 : memref<128x32xbf16, #tpu.memory_space<hbm>>) target(%arg12 : memref<128x32xbf16, #tpu.memory_space<vmem>>) target_semaphore(%run_scoped3A : memref<!tpu.dma_semaphore, #tpu.memory_space<semaphore_mem>>)
      tpu.wait_dma2 semaphore(%run_scoped3A : memref<!tpu.dma_semaphore, #tpu.memory_space<semaphore_mem>>) src(%arg7 : memref<128x32xbf16, #tpu.memory_space<hbm>>) dst(%arg12 : memref<128x32xbf16, #tpu.memory_space<vmem>>)
      tpu.yield
    }) : () -> ()
    "tpu.region"() ({
      %run_scoped3A = tpu.sem_alloc : memref<!tpu.dma_semaphore, #tpu.memory_space<semaphore_mem>>
      %dma_start3A_304 = arith.constant 0 : i32
      %dma_start3A_305 = arith.constant 0 : i32
      %dma_start3A_306 = tpu.memref_slice %arg3[%dma_start3A_304, %add3A, %dma_start3A_305] : memref<80x32x128xi32, #tpu.memory_space<hbm>> -> memref<80x1x128xi32, #tpu.memory_space<hbm>>
      %dma_start3A_307 = tpu.memref_squeeze %dma_start3A_306 : memref<80x1x128xi32, #tpu.memory_space<hbm>> -> memref<80x128xi32, #tpu.memory_space<hbm>>
      %dma_start3A_308 = arith.constant 0 : i32
      %dma_start3A_309 = arith.constant 0 : i32
      %dma_start3A_310 = tpu.memref_slice %arg3[%dma_start3A_308, %add3A, %dma_start3A_309] : memref<80x32x128xi32, #tpu.memory_space<hbm>> -> memref<80x1x128xi32, #tpu.memory_space<hbm>>
      %dma_start3A_311 = tpu.memref_squeeze %dma_start3A_310 : memref<80x1x128xi32, #tpu.memory_space<hbm>> -> memref<80x128xi32, #tpu.memory_space<hbm>>
      tpu.enqueue_dma source(%dma_start3A_311 : memref<80x128xi32, #tpu.memory_space<hbm>>) target(%arg10 : memref<80x128xi32, #tpu.memory_space<vmem>>) target_semaphore(%run_scoped3A : memref<!tpu.dma_semaphore, #tpu.memory_space<semaphore_mem>>)
      %dma_wait3A_312 = arith.constant 0 : i32
      %dma_wait3A_313 = arith.constant 0 : i32
      %dma_wait3A_314 = tpu.memref_slice %arg3[%dma_wait3A_312, %add3A, %dma_wait3A_313] : memref<80x32x128xi32, #tpu.memory_space<hbm>> -> memref<80x1x128xi32, #tpu.memory_space<hbm>>
      %dma_wait3A_315 = tpu.memref_squeeze %dma_wait3A_314 : memref<80x1x128xi32, #tpu.memory_space<hbm>> -> memref<80x128xi32, #tpu.memory_space<hbm>>
      %dma_wait3A_316 = arith.constant 0 : i32
      %dma_wait3A_317 = arith.constant 0 : i32
      %dma_wait3A_318 = tpu.memref_slice %arg3[%dma_wait3A_316, %add3A, %dma_wait3A_317] : memref<80x32x128xi32, #tpu.memory_space<hbm>> -> memref<80x1x128xi32, #tpu.memory_space<hbm>>
      %dma_wait3A_319 = tpu.memref_squeeze %dma_wait3A_318 : memref<80x1x128xi32, #tpu.memory_space<hbm>> -> memref<80x128xi32, #tpu.memory_space<hbm>>
      tpu.wait_dma2 semaphore(%run_scoped3A : memref<!tpu.dma_semaphore, #tpu.memory_space<semaphore_mem>>) src(%dma_wait3A_319 : memref<80x128xi32, #tpu.memory_space<hbm>>) dst(%arg10 : memref<80x128xi32, #tpu.memory_space<vmem>>)
      tpu.yield
    }) : () -> ()
    "tpu.region"() ({
      %run_scoped3A = tpu.sem_alloc : memref<!tpu.dma_semaphore, #tpu.memory_space<semaphore_mem>>
      %dma_start3A_304 = arith.constant 0 : i32
      %dma_start3A_305 = arith.constant 0 : i32
      %dma_start3A_306 = tpu.memref_slice %arg4[%dma_start3A_304, %add3A, %dma_start3A_305] : memref<80x32x128xi32, #tpu.memory_space<hbm>> -> memref<80x1x128xi32, #tpu.memory_space<hbm>>
      %dma_start3A_307 = tpu.memref_squeeze %dma_start3A_306 : memref<80x1x128xi32, #tpu.memory_space<hbm>> -> memref<80x128xi32, #tpu.memory_space<hbm>>
      %dma_start3A_308 = arith.constant 0 : i32
      %dma_start3A_309 = arith.constant 0 : i32
      %dma_start3A_310 = tpu.memref_slice %arg4[%dma_start3A_308, %add3A, %dma_start3A_309] : memref<80x32x128xi32, #tpu.memory_space<hbm>> -> memref<80x1x128xi32, #tpu.memory_space<hbm>>
      %dma_start3A_311 = tpu.memref_squeeze %dma_start3A_310 : memref<80x1x128xi32, #tpu.memory_space<hbm>> -> memref<80x128xi32, #tpu.memory_space<hbm>>
      tpu.enqueue_dma source(%dma_start3A_311 : memref<80x128xi32, #tpu.memory_space<hbm>>) target(%arg11 : memref<80x128xi32, #tpu.memory_space<vmem>>) target_semaphore(%run_scoped3A : memref<!tpu.dma_semaphore, #tpu.memory_space<semaphore_mem>>)
      %dma_wait3A_312 = arith.constant 0 : i32
      %dma_wait3A_313 = arith.constant 0 : i32
      %dma_wait3A_314 = tpu.memref_slice %arg4[%dma_wait3A_312, %add3A, %dma_wait3A_313] : memref<80x32x128xi32, #tpu.memory_space<hbm>> -> memref<80x1x128xi32, #tpu.memory_space<hbm>>
      %dma_wait3A_315 = tpu.memref_squeeze %dma_wait3A_314 : memref<80x1x128xi32, #tpu.memory_space<hbm>> -> memref<80x128xi32, #tpu.memory_space<hbm>>
      %dma_wait3A_316 = arith.constant 0 : i32
      %dma_wait3A_317 = arith.constant 0 : i32
      %dma_wait3A_318 = tpu.memref_slice %arg4[%dma_wait3A_316, %add3A, %dma_wait3A_317] : memref<80x32x128xi32, #tpu.memory_space<hbm>> -> memref<80x1x128xi32, #tpu.memory_space<hbm>>
      %dma_wait3A_319 = tpu.memref_squeeze %dma_wait3A_318 : memref<80x1x128xi32, #tpu.memory_space<hbm>> -> memref<80x128xi32, #tpu.memory_space<hbm>>
      tpu.wait_dma2 semaphore(%run_scoped3A : memref<!tpu.dma_semaphore, #tpu.memory_space<semaphore_mem>>) src(%dma_wait3A_319 : memref<80x128xi32, #tpu.memory_space<hbm>>) dst(%arg11 : memref<80x128xi32, #tpu.memory_space<vmem>>)
      tpu.yield
    }) : () -> ()
    %barrier3A = arith.constant 0 : index
    tpu.barrier barrier_id(%barrier3A)
    %dma_start3A = arith.constant 0 : i32
    %dma_start3A_5 = arith.constant 0 : i32
    %dma_start3A_6 = tpu.memref_slice %arg10[%dma_start3A, %dma_start3A_5] : memref<80x128xi32, #tpu.memory_space<vmem>> -> memref<1x128xi32, #tpu.memory_space<vmem>>
    %dma_start3A_7 = tpu.memref_squeeze %dma_start3A_6 : memref<1x128xi32, #tpu.memory_space<vmem>> -> memref<128xi32, #tpu.memory_space<vmem>>
    %dma_start3A_8 = arith.constant 0 : i32
    %dma_start3A_9 = arith.constant 0 : i32
    %dma_start3A_10 = tpu.memref_slice %arg2[%dma_start3A_8, %dma_start3A_9] : memref<10000x128xbf16, #tpu.memory_space<hbm>> -> memref<10000x128xbf16, #tpu.memory_space<hbm>>
    tpu.enqueue_indirect_dma source(%dma_start3A_10 : memref<10000x128xbf16, #tpu.memory_space<hbm>>) target(%arg13 : memref<128x128xbf16, #tpu.memory_space<vmem>>) offsets(%dma_start3A_7 : memref<128xi32, #tpu.memory_space<vmem>>) semaphore(%arg20 : memref<!tpu.dma_semaphore, #tpu.memory_space<semaphore_mem>>)
    %dma_start3A_11 = arith.constant 1 : i32
    %dma_start3A_12 = arith.constant 0 : i32
    %dma_start3A_13 = tpu.memref_slice %arg10[%dma_start3A_11, %dma_start3A_12] : memref<80x128xi32, #tpu.memory_space<vmem>> -> memref<1x128xi32, #tpu.memory_space<vmem>>
    %dma_start3A_14 = tpu.memref_squeeze %dma_start3A_13 : memref<1x128xi32, #tpu.memory_space<vmem>> -> memref<128xi32, #tpu.memory_space<vmem>>
    %dma_start3A_15 = arith.constant 0 : i32
    %dma_start3A_16 = arith.constant 0 : i32
    %dma_start3A_17 = tpu.memref_slice %arg2[%dma_start3A_15, %dma_start3A_16] : memref<10000x128xbf16, #tpu.memory_space<hbm>> -> memref<10000x128xbf16, #tpu.memory_space<hbm>>
    tpu.enqueue_indirect_dma source(%dma_start3A_17 : memref<10000x128xbf16, #tpu.memory_space<hbm>>) target(%arg14 : memref<128x128xbf16, #tpu.memory_space<vmem>>) offsets(%dma_start3A_14 : memref<128xi32, #tpu.memory_space<vmem>>) semaphore(%arg21 : memref<!tpu.dma_semaphore, #tpu.memory_space<semaphore_mem>>)
    %dma_start3A_18 = arith.constant 2 : i32
    %dma_start3A_19 = arith.constant 0 : i32
    %dma_start3A_20 = tpu.memref_slice %arg10[%dma_start3A_18, %dma_start3A_19] : memref<80x128xi32, #tpu.memory_space<vmem>> -> memref<1x128xi32, #tpu.memory_space<vmem>>
    %dma_start3A_21 = tpu.memref_squeeze %dma_start3A_20 : memref<1x128xi32, #tpu.memory_space<vmem>> -> memref<128xi32, #tpu.memory_space<vmem>>
    %dma_start3A_22 = arith.constant 0 : i32
    %dma_start3A_23 = arith.constant 0 : i32
    %dma_start3A_24 = tpu.memref_slice %arg2[%dma_start3A_22, %dma_start3A_23] : memref<10000x128xbf16, #tpu.memory_space<hbm>> -> memref<10000x128xbf16, #tpu.memory_space<hbm>>
    tpu.enqueue_indirect_dma source(%dma_start3A_24 : memref<10000x128xbf16, #tpu.memory_space<hbm>>) target(%arg15 : memref<128x128xbf16, #tpu.memory_space<vmem>>) offsets(%dma_start3A_21 : memref<128xi32, #tpu.memory_space<vmem>>) semaphore(%arg22 : memref<!tpu.dma_semaphore, #tpu.memory_space<semaphore_mem>>)
    %dma_start3A_25 = arith.constant 3 : i32
    %dma_start3A_26 = arith.constant 0 : i32
    %dma_start3A_27 = tpu.memref_slice %arg10[%dma_start3A_25, %dma_start3A_26] : memref<80x128xi32, #tpu.memory_space<vmem>> -> memref<1x128xi32, #tpu.memory_space<vmem>>
    %dma_start3A_28 = tpu.memref_squeeze %dma_start3A_27 : memref<1x128xi32, #tpu.memory_space<vmem>> -> memref<128xi32, #tpu.memory_space<vmem>>
    %dma_start3A_29 = arith.constant 0 : i32
    %dma_start3A_30 = arith.constant 0 : i32
    %dma_start3A_31 = tpu.memref_slice %arg2[%dma_start3A_29, %dma_start3A_30] : memref<10000x128xbf16, #tpu.memory_space<hbm>> -> memref<10000x128xbf16, #tpu.memory_space<hbm>>
    tpu.enqueue_indirect_dma source(%dma_start3A_31 : memref<10000x128xbf16, #tpu.memory_space<hbm>>) target(%arg16 : memref<128x128xbf16, #tpu.memory_space<vmem>>) offsets(%dma_start3A_28 : memref<128xi32, #tpu.memory_space<vmem>>) semaphore(%arg23 : memref<!tpu.dma_semaphore, #tpu.memory_space<semaphore_mem>>)
    %dma_wait3A = arith.constant 0 : i32
    %dma_wait3A_32 = arith.constant 0 : i32
    %dma_wait3A_33 = tpu.memref_slice %arg10[%dma_wait3A, %dma_wait3A_32] : memref<80x128xi32, #tpu.memory_space<vmem>> -> memref<1x128xi32, #tpu.memory_space<vmem>>
    %dma_wait3A_34 = tpu.memref_squeeze %dma_wait3A_33 : memref<1x128xi32, #tpu.memory_space<vmem>> -> memref<128xi32, #tpu.memory_space<vmem>>
    %dma_wait3A_35 = arith.constant 0 : i32
    %dma_wait3A_36 = arith.constant 0 : i32
    %dma_wait3A_37 = tpu.memref_slice %arg2[%dma_wait3A_35, %dma_wait3A_36] : memref<10000x128xbf16, #tpu.memory_space<hbm>> -> memref<10000x128xbf16, #tpu.memory_space<hbm>>
    tpu.wait_indirect_dma semaphore(%arg20 : memref<!tpu.dma_semaphore, #tpu.memory_space<semaphore_mem>>) src(%dma_wait3A_37 : memref<10000x128xbf16, #tpu.memory_space<hbm>>) dst(%arg13 : memref<128x128xbf16, #tpu.memory_space<vmem>>)
    %dma_start3A_38 = arith.constant 0 : i32
    %dma_start3A_39 = arith.constant 0 : i32
    %dma_start3A_40 = tpu.memref_slice %arg11[%dma_start3A_38, %dma_start3A_39] : memref<80x128xi32, #tpu.memory_space<vmem>> -> memref<1x128xi32, #tpu.memory_space<vmem>>
    %dma_start3A_41 = tpu.memref_squeeze %dma_start3A_40 : memref<1x128xi32, #tpu.memory_space<vmem>> -> memref<128xi32, #tpu.memory_space<vmem>>
    %dma_start3A_42 = arith.constant 0 : i32
    %dma_start3A_43 = arith.constant 0 : i32
    %dma_start3A_44 = tpu.memref_slice %arg18[%dma_start3A_42, %dma_start3A_43] : memref<10016x128xbf16, #tpu.memory_space<vmem_shared>> -> memref<10016x128xbf16, #tpu.memory_space<vmem_shared>>
    tpu.enqueue_indirect_dma source(%arg13 : memref<128x128xbf16, #tpu.memory_space<vmem>>) target(%dma_start3A_44 : memref<10016x128xbf16, #tpu.memory_space<vmem_shared>>) offsets(%dma_start3A_41 : memref<128xi32, #tpu.memory_space<vmem>>) semaphore(%arg25 : memref<!tpu.dma_semaphore, #tpu.memory_space<semaphore_mem>>) {add = true}
    %dma_start3A_45 = arith.constant 0 : i32
    %dma_start3A_46 = arith.constant 0 : i32
    %dma_start3A_47 = tpu.memref_slice %arg11[%dma_start3A_45, %dma_start3A_46] : memref<80x128xi32, #tpu.memory_space<vmem>> -> memref<1x128xi32, #tpu.memory_space<vmem>>
    %dma_start3A_48 = tpu.memref_squeeze %dma_start3A_47 : memref<1x128xi32, #tpu.memory_space<vmem>> -> memref<128xi32, #tpu.memory_space<vmem>>
    %dma_start3A_49 = arith.constant 0 : i32
    %dma_start3A_50 = arith.constant 0 : i32
    %dma_start3A_51 = tpu.memref_slice %arg19[%dma_start3A_49, %dma_start3A_50] : memref<10016x32xbf16, #tpu.memory_space<vmem_shared>> -> memref<10016x32xbf16, #tpu.memory_space<vmem_shared>>
    tpu.enqueue_indirect_dma source(%arg12 : memref<128x32xbf16, #tpu.memory_space<vmem>>) target(%dma_start3A_51 : memref<10016x32xbf16, #tpu.memory_space<vmem_shared>>) offsets(%dma_start3A_48 : memref<128xi32, #tpu.memory_space<vmem>>) semaphore(%arg30 : memref<!tpu.dma_semaphore, #tpu.memory_space<semaphore_mem>>) {add = true}
    %dma_start3A_52 = arith.constant 4 : i32
    %dma_start3A_53 = arith.constant 0 : i32
    %dma_start3A_54 = tpu.memref_slice %arg10[%dma_start3A_52, %dma_start3A_53] : memref<80x128xi32, #tpu.memory_space<vmem>> -> memref<1x128xi32, #tpu.memory_space<vmem>>
    %dma_start3A_55 = tpu.memref_squeeze %dma_start3A_54 : memref<1x128xi32, #tpu.memory_space<vmem>> -> memref<128xi32, #tpu.memory_space<vmem>>
    %dma_start3A_56 = arith.constant 0 : i32
    %dma_start3A_57 = arith.constant 0 : i32
    %dma_start3A_58 = tpu.memref_slice %arg2[%dma_start3A_56, %dma_start3A_57] : memref<10000x128xbf16, #tpu.memory_space<hbm>> -> memref<10000x128xbf16, #tpu.memory_space<hbm>>
    tpu.enqueue_indirect_dma source(%dma_start3A_58 : memref<10000x128xbf16, #tpu.memory_space<hbm>>) target(%arg17 : memref<128x128xbf16, #tpu.memory_space<vmem>>) offsets(%dma_start3A_55 : memref<128xi32, #tpu.memory_space<vmem>>) semaphore(%arg24 : memref<!tpu.dma_semaphore, #tpu.memory_space<semaphore_mem>>)
    %dma_wait3A_59 = arith.constant 1 : i32
    %dma_wait3A_60 = arith.constant 0 : i32
    %dma_wait3A_61 = tpu.memref_slice %arg10[%dma_wait3A_59, %dma_wait3A_60] : memref<80x128xi32, #tpu.memory_space<vmem>> -> memref<1x128xi32, #tpu.memory_space<vmem>>
    %dma_wait3A_62 = tpu.memref_squeeze %dma_wait3A_61 : memref<1x128xi32, #tpu.memory_space<vmem>> -> memref<128xi32, #tpu.memory_space<vmem>>
    %dma_wait3A_63 = arith.constant 0 : i32
    %dma_wait3A_64 = arith.constant 0 : i32
    %dma_wait3A_65 = tpu.memref_slice %arg2[%dma_wait3A_63, %dma_wait3A_64] : memref<10000x128xbf16, #tpu.memory_space<hbm>> -> memref<10000x128xbf16, #tpu.memory_space<hbm>>
    tpu.wait_indirect_dma semaphore(%arg21 : memref<!tpu.dma_semaphore, #tpu.memory_space<semaphore_mem>>) src(%dma_wait3A_65 : memref<10000x128xbf16, #tpu.memory_space<hbm>>) dst(%arg14 : memref<128x128xbf16, #tpu.memory_space<vmem>>)
    %dma_start3A_66 = arith.constant 1 : i32
    %dma_start3A_67 = arith.constant 0 : i32
    %dma_start3A_68 = tpu.memref_slice %arg11[%dma_start3A_66, %dma_start3A_67] : memref<80x128xi32, #tpu.memory_space<vmem>> -> memref<1x128xi32, #tpu.memory_space<vmem>>
    %dma_start3A_69 = tpu.memref_squeeze %dma_start3A_68 : memref<1x128xi32, #tpu.memory_space<vmem>> -> memref<128xi32, #tpu.memory_space<vmem>>
    %dma_start3A_70 = arith.constant 0 : i32
    %dma_start3A_71 = arith.constant 0 : i32
    %dma_start3A_72 = tpu.memref_slice %arg18[%dma_start3A_70, %dma_start3A_71] : memref<10016x128xbf16, #tpu.memory_space<vmem_shared>> -> memref<10016x128xbf16, #tpu.memory_space<vmem_shared>>
    tpu.enqueue_indirect_dma source(%arg14 : memref<128x128xbf16, #tpu.memory_space<vmem>>) target(%dma_start3A_72 : memref<10016x128xbf16, #tpu.memory_space<vmem_shared>>) offsets(%dma_start3A_69 : memref<128xi32, #tpu.memory_space<vmem>>) semaphore(%arg26 : memref<!tpu.dma_semaphore, #tpu.memory_space<semaphore_mem>>) {add = true}
    %dma_start3A_73 = arith.constant 1 : i32
    %dma_start3A_74 = arith.constant 0 : i32
    %dma_start3A_75 = tpu.memref_slice %arg11[%dma_start3A_73, %dma_start3A_74] : memref<80x128xi32, #tpu.memory_space<vmem>> -> memref<1x128xi32, #tpu.memory_space<vmem>>
    %dma_start3A_76 = tpu.memref_squeeze %dma_start3A_75 : memref<1x128xi32, #tpu.memory_space<vmem>> -> memref<128xi32, #tpu.memory_space<vmem>>
    %dma_start3A_77 = arith.constant 0 : i32
    %dma_start3A_78 = arith.constant 0 : i32
    %dma_start3A_79 = tpu.memref_slice %arg19[%dma_start3A_77, %dma_start3A_78] : memref<10016x32xbf16, #tpu.memory_space<vmem_shared>> -> memref<10016x32xbf16, #tpu.memory_space<vmem_shared>>
    tpu.enqueue_indirect_dma source(%arg12 : memref<128x32xbf16, #tpu.memory_space<vmem>>) target(%dma_start3A_79 : memref<10016x32xbf16, #tpu.memory_space<vmem_shared>>) offsets(%dma_start3A_76 : memref<128xi32, #tpu.memory_space<vmem>>) semaphore(%arg31 : memref<!tpu.dma_semaphore, #tpu.memory_space<semaphore_mem>>) {add = true}
    %dma_wait3A_80 = arith.constant 0 : i32
    %dma_wait3A_81 = arith.constant 0 : i32
    %dma_wait3A_82 = tpu.memref_slice %arg11[%dma_wait3A_80, %dma_wait3A_81] : memref<80x128xi32, #tpu.memory_space<vmem>> -> memref<1x128xi32, #tpu.memory_space<vmem>>
    %dma_wait3A_83 = tpu.memref_squeeze %dma_wait3A_82 : memref<1x128xi32, #tpu.memory_space<vmem>> -> memref<128xi32, #tpu.memory_space<vmem>>
    %dma_wait3A_84 = arith.constant 0 : i32
    %dma_wait3A_85 = arith.constant 0 : i32
    %dma_wait3A_86 = tpu.memref_slice %arg18[%dma_wait3A_84, %dma_wait3A_85] : memref<10016x128xbf16, #tpu.memory_space<vmem_shared>> -> memref<10016x128xbf16, #tpu.memory_space<vmem_shared>>
    tpu.wait_indirect_dma semaphore(%arg25 : memref<!tpu.dma_semaphore, #tpu.memory_space<semaphore_mem>>) src(%arg13 : memref<128x128xbf16, #tpu.memory_space<vmem>>) dst(%dma_wait3A_86 : memref<10016x128xbf16, #tpu.memory_space<vmem_shared>>)
    %dma_wait3A_87 = arith.constant 0 : i32
    %dma_wait3A_88 = arith.constant 0 : i32
    %dma_wait3A_89 = tpu.memref_slice %arg11[%dma_wait3A_87, %dma_wait3A_88] : memref<80x128xi32, #tpu.memory_space<vmem>> -> memref<1x128xi32, #tpu.memory_space<vmem>>
    %dma_wait3A_90 = tpu.memref_squeeze %dma_wait3A_89 : memref<1x128xi32, #tpu.memory_space<vmem>> -> memref<128xi32, #tpu.memory_space<vmem>>
    %dma_wait3A_91 = arith.constant 0 : i32
    %dma_wait3A_92 = arith.constant 0 : i32
    %dma_wait3A_93 = tpu.memref_slice %arg19[%dma_wait3A_91, %dma_wait3A_92] : memref<10016x32xbf16, #tpu.memory_space<vmem_shared>> -> memref<10016x32xbf16, #tpu.memory_space<vmem_shared>>
    tpu.wait_indirect_dma semaphore(%arg30 : memref<!tpu.dma_semaphore, #tpu.memory_space<semaphore_mem>>) src(%arg12 : memref<128x32xbf16, #tpu.memory_space<vmem>>) dst(%dma_wait3A_93 : memref<10016x32xbf16, #tpu.memory_space<vmem_shared>>)
    %dma_start3A_94 = arith.constant 5 : i32
    %dma_start3A_95 = arith.constant 0 : i32
    %dma_start3A_96 = tpu.memref_slice %arg10[%dma_start3A_94, %dma_start3A_95] : memref<80x128xi32, #tpu.memory_space<vmem>> -> memref<1x128xi32, #tpu.memory_space<vmem>>
    %dma_start3A_97 = tpu.memref_squeeze %dma_start3A_96 : memref<1x128xi32, #tpu.memory_space<vmem>> -> memref<128xi32, #tpu.memory_space<vmem>>
    %dma_start3A_98 = arith.constant 0 : i32
    %dma_start3A_99 = arith.constant 0 : i32
    %dma_start3A_100 = tpu.memref_slice %arg2[%dma_start3A_98, %dma_start3A_99] : memref<10000x128xbf16, #tpu.memory_space<hbm>> -> memref<10000x128xbf16, #tpu.memory_space<hbm>>
    tpu.enqueue_indirect_dma source(%dma_start3A_100 : memref<10000x128xbf16, #tpu.memory_space<hbm>>) target(%arg13 : memref<128x128xbf16, #tpu.memory_space<vmem>>) offsets(%dma_start3A_97 : memref<128xi32, #tpu.memory_space<vmem>>) semaphore(%arg20 : memref<!tpu.dma_semaphore, #tpu.memory_space<semaphore_mem>>)
    %dma_wait3A_101 = arith.constant 2 : i32
    %dma_wait3A_102 = arith.constant 0 : i32
    %dma_wait3A_103 = tpu.memref_slice %arg10[%dma_wait3A_101, %dma_wait3A_102] : memref<80x128xi32, #tpu.memory_space<vmem>> -> memref<1x128xi32, #tpu.memory_space<vmem>>
    %dma_wait3A_104 = tpu.memref_squeeze %dma_wait3A_103 : memref<1x128xi32, #tpu.memory_space<vmem>> -> memref<128xi32, #tpu.memory_space<vmem>>
    %dma_wait3A_105 = arith.constant 0 : i32
    %dma_wait3A_106 = arith.constant 0 : i32
    %dma_wait3A_107 = tpu.memref_slice %arg2[%dma_wait3A_105, %dma_wait3A_106] : memref<10000x128xbf16, #tpu.memory_space<hbm>> -> memref<10000x128xbf16, #tpu.memory_space<hbm>>
    tpu.wait_indirect_dma semaphore(%arg22 : memref<!tpu.dma_semaphore, #tpu.memory_space<semaphore_mem>>) src(%dma_wait3A_107 : memref<10000x128xbf16, #tpu.memory_space<hbm>>) dst(%arg15 : memref<128x128xbf16, #tpu.memory_space<vmem>>)
    %dma_start3A_108 = arith.constant 2 : i32
    %dma_start3A_109 = arith.constant 0 : i32
    %dma_start3A_110 = tpu.memref_slice %arg11[%dma_start3A_108, %dma_start3A_109] : memref<80x128xi32, #tpu.memory_space<vmem>> -> memref<1x128xi32, #tpu.memory_space<vmem>>
    %dma_start3A_111 = tpu.memref_squeeze %dma_start3A_110 : memref<1x128xi32, #tpu.memory_space<vmem>> -> memref<128xi32, #tpu.memory_space<vmem>>
    %dma_start3A_112 = arith.constant 0 : i32
    %dma_start3A_113 = arith.constant 0 : i32
    %dma_start3A_114 = tpu.memref_slice %arg18[%dma_start3A_112, %dma_start3A_113] : memref<10016x128xbf16, #tpu.memory_space<vmem_shared>> -> memref<10016x128xbf16, #tpu.memory_space<vmem_shared>>
    tpu.enqueue_indirect_dma source(%arg15 : memref<128x128xbf16, #tpu.memory_space<vmem>>) target(%dma_start3A_114 : memref<10016x128xbf16, #tpu.memory_space<vmem_shared>>) offsets(%dma_start3A_111 : memref<128xi32, #tpu.memory_space<vmem>>) semaphore(%arg27 : memref<!tpu.dma_semaphore, #tpu.memory_space<semaphore_mem>>) {add = true}
    %dma_start3A_115 = arith.constant 2 : i32
    %dma_start3A_116 = arith.constant 0 : i32
    %dma_start3A_117 = tpu.memref_slice %arg11[%dma_start3A_115, %dma_start3A_116] : memref<80x128xi32, #tpu.memory_space<vmem>> -> memref<1x128xi32, #tpu.memory_space<vmem>>
    %dma_start3A_118 = tpu.memref_squeeze %dma_start3A_117 : memref<1x128xi32, #tpu.memory_space<vmem>> -> memref<128xi32, #tpu.memory_space<vmem>>
    %dma_start3A_119 = arith.constant 0 : i32
    %dma_start3A_120 = arith.constant 0 : i32
    %dma_start3A_121 = tpu.memref_slice %arg19[%dma_start3A_119, %dma_start3A_120] : memref<10016x32xbf16, #tpu.memory_space<vmem_shared>> -> memref<10016x32xbf16, #tpu.memory_space<vmem_shared>>
    tpu.enqueue_indirect_dma source(%arg12 : memref<128x32xbf16, #tpu.memory_space<vmem>>) target(%dma_start3A_121 : memref<10016x32xbf16, #tpu.memory_space<vmem_shared>>) offsets(%dma_start3A_118 : memref<128xi32, #tpu.memory_space<vmem>>) semaphore(%arg32 : memref<!tpu.dma_semaphore, #tpu.memory_space<semaphore_mem>>) {add = true}
    %dma_wait3A_122 = arith.constant 0 : i32
    %dma_wait3A_123 = arith.constant 0 : i32
    %dma_wait3A_124 = tpu.memref_slice %arg11[%dma_wait3A_122, %dma_wait3A_123] : memref<80x128xi32, #tpu.memory_space<vmem>> -> memref<1x128xi32, #tpu.memory_space<vmem>>
    %dma_wait3A_125 = tpu.memref_squeeze %dma_wait3A_124 : memref<1x128xi32, #tpu.memory_space<vmem>> -> memref<128xi32, #tpu.memory_space<vmem>>
    %dma_wait3A_126 = arith.constant 0 : i32
    %dma_wait3A_127 = arith.constant 0 : i32
    %dma_wait3A_128 = tpu.memref_slice %arg18[%dma_wait3A_126, %dma_wait3A_127] : memref<10016x128xbf16, #tpu.memory_space<vmem_shared>> -> memref<10016x128xbf16, #tpu.memory_space<vmem_shared>>
    tpu.wait_indirect_dma semaphore(%arg26 : memref<!tpu.dma_semaphore, #tpu.memory_space<semaphore_mem>>) src(%arg14 : memref<128x128xbf16, #tpu.memory_space<vmem>>) dst(%dma_wait3A_128 : memref<10016x128xbf16, #tpu.memory_space<vmem_shared>>)
    %dma_wait3A_129 = arith.constant 0 : i32
    %dma_wait3A_130 = arith.constant 0 : i32
    %dma_wait3A_131 = tpu.memref_slice %arg11[%dma_wait3A_129, %dma_wait3A_130] : memref<80x128xi32, #tpu.memory_space<vmem>> -> memref<1x128xi32, #tpu.memory_space<vmem>>
    %dma_wait3A_132 = tpu.memref_squeeze %dma_wait3A_131 : memref<1x128xi32, #tpu.memory_space<vmem>> -> memref<128xi32, #tpu.memory_space<vmem>>
    %dma_wait3A_133 = arith.constant 0 : i32
    %dma_wait3A_134 = arith.constant 0 : i32
    %dma_wait3A_135 = tpu.memref_slice %arg19[%dma_wait3A_133, %dma_wait3A_134] : memref<10016x32xbf16, #tpu.memory_space<vmem_shared>> -> memref<10016x32xbf16, #tpu.memory_space<vmem_shared>>
    tpu.wait_indirect_dma semaphore(%arg31 : memref<!tpu.dma_semaphore, #tpu.memory_space<semaphore_mem>>) src(%arg12 : memref<128x32xbf16, #tpu.memory_space<vmem>>) dst(%dma_wait3A_135 : memref<10016x32xbf16, #tpu.memory_space<vmem_shared>>)
    %dma_start3A_136 = arith.constant 6 : i32
    %dma_start3A_137 = arith.constant 0 : i32
    %dma_start3A_138 = tpu.memref_slice %arg10[%dma_start3A_136, %dma_start3A_137] : memref<80x128xi32, #tpu.memory_space<vmem>> -> memref<1x128xi32, #tpu.memory_space<vmem>>
    %dma_start3A_139 = tpu.memref_squeeze %dma_start3A_138 : memref<1x128xi32, #tpu.memory_space<vmem>> -> memref<128xi32, #tpu.memory_space<vmem>>
    %dma_start3A_140 = arith.constant 0 : i32
    %dma_start3A_141 = arith.constant 0 : i32
    %dma_start3A_142 = tpu.memref_slice %arg2[%dma_start3A_140, %dma_start3A_141] : memref<10000x128xbf16, #tpu.memory_space<hbm>> -> memref<10000x128xbf16, #tpu.memory_space<hbm>>
    tpu.enqueue_indirect_dma source(%dma_start3A_142 : memref<10000x128xbf16, #tpu.memory_space<hbm>>) target(%arg14 : memref<128x128xbf16, #tpu.memory_space<vmem>>) offsets(%dma_start3A_139 : memref<128xi32, #tpu.memory_space<vmem>>) semaphore(%arg21 : memref<!tpu.dma_semaphore, #tpu.memory_space<semaphore_mem>>)
    %dma_wait3A_143 = arith.constant 3 : i32
    %dma_wait3A_144 = arith.constant 0 : i32
    %dma_wait3A_145 = tpu.memref_slice %arg10[%dma_wait3A_143, %dma_wait3A_144] : memref<80x128xi32, #tpu.memory_space<vmem>> -> memref<1x128xi32, #tpu.memory_space<vmem>>
    %dma_wait3A_146 = tpu.memref_squeeze %dma_wait3A_145 : memref<1x128xi32, #tpu.memory_space<vmem>> -> memref<128xi32, #tpu.memory_space<vmem>>
    %dma_wait3A_147 = arith.constant 0 : i32
    %dma_wait3A_148 = arith.constant 0 : i32
    %dma_wait3A_149 = tpu.memref_slice %arg2[%dma_wait3A_147, %dma_wait3A_148] : memref<10000x128xbf16, #tpu.memory_space<hbm>> -> memref<10000x128xbf16, #tpu.memory_space<hbm>>
    tpu.wait_indirect_dma semaphore(%arg23 : memref<!tpu.dma_semaphore, #tpu.memory_space<semaphore_mem>>) src(%dma_wait3A_149 : memref<10000x128xbf16, #tpu.memory_space<hbm>>) dst(%arg16 : memref<128x128xbf16, #tpu.memory_space<vmem>>)
    %dma_start3A_150 = arith.constant 3 : i32
    %dma_start3A_151 = arith.constant 0 : i32
    %dma_start3A_152 = tpu.memref_slice %arg11[%dma_start3A_150, %dma_start3A_151] : memref<80x128xi32, #tpu.memory_space<vmem>> -> memref<1x128xi32, #tpu.memory_space<vmem>>
    %dma_start3A_153 = tpu.memref_squeeze %dma_start3A_152 : memref<1x128xi32, #tpu.memory_space<vmem>> -> memref<128xi32, #tpu.memory_space<vmem>>
    %dma_start3A_154 = arith.constant 0 : i32
    %dma_start3A_155 = arith.constant 0 : i32
    %dma_start3A_156 = tpu.memref_slice %arg18[%dma_start3A_154, %dma_start3A_155] : memref<10016x128xbf16, #tpu.memory_space<vmem_shared>> -> memref<10016x128xbf16, #tpu.memory_space<vmem_shared>>
    tpu.enqueue_indirect_dma source(%arg16 : memref<128x128xbf16, #tpu.memory_space<vmem>>) target(%dma_start3A_156 : memref<10016x128xbf16, #tpu.memory_space<vmem_shared>>) offsets(%dma_start3A_153 : memref<128xi32, #tpu.memory_space<vmem>>) semaphore(%arg28 : memref<!tpu.dma_semaphore, #tpu.memory_space<semaphore_mem>>) {add = true}
    %dma_start3A_157 = arith.constant 3 : i32
    %dma_start3A_158 = arith.constant 0 : i32
    %dma_start3A_159 = tpu.memref_slice %arg11[%dma_start3A_157, %dma_start3A_158] : memref<80x128xi32, #tpu.memory_space<vmem>> -> memref<1x128xi32, #tpu.memory_space<vmem>>
    %dma_start3A_160 = tpu.memref_squeeze %dma_start3A_159 : memref<1x128xi32, #tpu.memory_space<vmem>> -> memref<128xi32, #tpu.memory_space<vmem>>
    %dma_start3A_161 = arith.constant 0 : i32
    %dma_start3A_162 = arith.constant 0 : i32
    %dma_start3A_163 = tpu.memref_slice %arg19[%dma_start3A_161, %dma_start3A_162] : memref<10016x32xbf16, #tpu.memory_space<vmem_shared>> -> memref<10016x32xbf16, #tpu.memory_space<vmem_shared>>
    tpu.enqueue_indirect_dma source(%arg12 : memref<128x32xbf16, #tpu.memory_space<vmem>>) target(%dma_start3A_163 : memref<10016x32xbf16, #tpu.memory_space<vmem_shared>>) offsets(%dma_start3A_160 : memref<128xi32, #tpu.memory_space<vmem>>) semaphore(%arg33 : memref<!tpu.dma_semaphore, #tpu.memory_space<semaphore_mem>>) {add = true}
    %dma_wait3A_164 = arith.constant 0 : i32
    %dma_wait3A_165 = arith.constant 0 : i32
    %dma_wait3A_166 = tpu.memref_slice %arg11[%dma_wait3A_164, %dma_wait3A_165] : memref<80x128xi32, #tpu.memory_space<vmem>> -> memref<1x128xi32, #tpu.memory_space<vmem>>
    %dma_wait3A_167 = tpu.memref_squeeze %dma_wait3A_166 : memref<1x128xi32, #tpu.memory_space<vmem>> -> memref<128xi32, #tpu.memory_space<vmem>>
    %dma_wait3A_168 = arith.constant 0 : i32
    %dma_wait3A_169 = arith.constant 0 : i32
    %dma_wait3A_170 = tpu.memref_slice %arg18[%dma_wait3A_168, %dma_wait3A_169] : memref<10016x128xbf16, #tpu.memory_space<vmem_shared>> -> memref<10016x128xbf16, #tpu.memory_space<vmem_shared>>
    tpu.wait_indirect_dma semaphore(%arg27 : memref<!tpu.dma_semaphore, #tpu.memory_space<semaphore_mem>>) src(%arg15 : memref<128x128xbf16, #tpu.memory_space<vmem>>) dst(%dma_wait3A_170 : memref<10016x128xbf16, #tpu.memory_space<vmem_shared>>)
    %dma_wait3A_171 = arith.constant 0 : i32
    %dma_wait3A_172 = arith.constant 0 : i32
    %dma_wait3A_173 = tpu.memref_slice %arg11[%dma_wait3A_171, %dma_wait3A_172] : memref<80x128xi32, #tpu.memory_space<vmem>> -> memref<1x128xi32, #tpu.memory_space<vmem>>
    %dma_wait3A_174 = tpu.memref_squeeze %dma_wait3A_173 : memref<1x128xi32, #tpu.memory_space<vmem>> -> memref<128xi32, #tpu.memory_space<vmem>>
    %dma_wait3A_175 = arith.constant 0 : i32
    %dma_wait3A_176 = arith.constant 0 : i32
    %dma_wait3A_177 = tpu.memref_slice %arg19[%dma_wait3A_175, %dma_wait3A_176] : memref<10016x32xbf16, #tpu.memory_space<vmem_shared>> -> memref<10016x32xbf16, #tpu.memory_space<vmem_shared>>
    tpu.wait_indirect_dma semaphore(%arg32 : memref<!tpu.dma_semaphore, #tpu.memory_space<semaphore_mem>>) src(%arg12 : memref<128x32xbf16, #tpu.memory_space<vmem>>) dst(%dma_wait3A_177 : memref<10016x32xbf16, #tpu.memory_space<vmem_shared>>)
    %dma_start3A_178 = arith.constant 7 : i32
    %dma_start3A_179 = arith.constant 0 : i32
    %dma_start3A_180 = tpu.memref_slice %arg10[%dma_start3A_178, %dma_start3A_179] : memref<80x128xi32, #tpu.memory_space<vmem>> -> memref<1x128xi32, #tpu.memory_space<vmem>>
    %dma_start3A_181 = tpu.memref_squeeze %dma_start3A_180 : memref<1x128xi32, #tpu.memory_space<vmem>> -> memref<128xi32, #tpu.memory_space<vmem>>
    %dma_start3A_182 = arith.constant 0 : i32
    %dma_start3A_183 = arith.constant 0 : i32
    %dma_start3A_184 = tpu.memref_slice %arg2[%dma_start3A_182, %dma_start3A_183] : memref<10000x128xbf16, #tpu.memory_space<hbm>> -> memref<10000x128xbf16, #tpu.memory_space<hbm>>
    tpu.enqueue_indirect_dma source(%dma_start3A_184 : memref<10000x128xbf16, #tpu.memory_space<hbm>>) target(%arg15 : memref<128x128xbf16, #tpu.memory_space<vmem>>) offsets(%dma_start3A_181 : memref<128xi32, #tpu.memory_space<vmem>>) semaphore(%arg22 : memref<!tpu.dma_semaphore, #tpu.memory_space<semaphore_mem>>)
    %dma_wait3A_185 = arith.constant 4 : i32
    %dma_wait3A_186 = arith.constant 0 : i32
    %dma_wait3A_187 = tpu.memref_slice %arg10[%dma_wait3A_185, %dma_wait3A_186] : memref<80x128xi32, #tpu.memory_space<vmem>> -> memref<1x128xi32, #tpu.memory_space<vmem>>
    %dma_wait3A_188 = tpu.memref_squeeze %dma_wait3A_187 : memref<1x128xi32, #tpu.memory_space<vmem>> -> memref<128xi32, #tpu.memory_space<vmem>>
    %dma_wait3A_189 = arith.constant 0 : i32
    %dma_wait3A_190 = arith.constant 0 : i32
    %dma_wait3A_191 = tpu.memref_slice %arg2[%dma_wait3A_189, %dma_wait3A_190] : memref<10000x128xbf16, #tpu.memory_space<hbm>> -> memref<10000x128xbf16, #tpu.memory_space<hbm>>
    tpu.wait_indirect_dma semaphore(%arg24 : memref<!tpu.dma_semaphore, #tpu.memory_space<semaphore_mem>>) src(%dma_wait3A_191 : memref<10000x128xbf16, #tpu.memory_space<hbm>>) dst(%arg17 : memref<128x128xbf16, #tpu.memory_space<vmem>>)
    %dma_start3A_192 = arith.constant 4 : i32
    %dma_start3A_193 = arith.constant 0 : i32
    %dma_start3A_194 = tpu.memref_slice %arg11[%dma_start3A_192, %dma_start3A_193] : memref<80x128xi32, #tpu.memory_space<vmem>> -> memref<1x128xi32, #tpu.memory_space<vmem>>
    %dma_start3A_195 = tpu.memref_squeeze %dma_start3A_194 : memref<1x128xi32, #tpu.memory_space<vmem>> -> memref<128xi32, #tpu.memory_space<vmem>>
    %dma_start3A_196 = arith.constant 0 : i32
    %dma_start3A_197 = arith.constant 0 : i32
    %dma_start3A_198 = tpu.memref_slice %arg18[%dma_start3A_196, %dma_start3A_197] : memref<10016x128xbf16, #tpu.memory_space<vmem_shared>> -> memref<10016x128xbf16, #tpu.memory_space<vmem_shared>>
    tpu.enqueue_indirect_dma source(%arg17 : memref<128x128xbf16, #tpu.memory_space<vmem>>) target(%dma_start3A_198 : memref<10016x128xbf16, #tpu.memory_space<vmem_shared>>) offsets(%dma_start3A_195 : memref<128xi32, #tpu.memory_space<vmem>>) semaphore(%arg29 : memref<!tpu.dma_semaphore, #tpu.memory_space<semaphore_mem>>) {add = true}
    %dma_start3A_199 = arith.constant 4 : i32
    %dma_start3A_200 = arith.constant 0 : i32
    %dma_start3A_201 = tpu.memref_slice %arg11[%dma_start3A_199, %dma_start3A_200] : memref<80x128xi32, #tpu.memory_space<vmem>> -> memref<1x128xi32, #tpu.memory_space<vmem>>
    %dma_start3A_202 = tpu.memref_squeeze %dma_start3A_201 : memref<1x128xi32, #tpu.memory_space<vmem>> -> memref<128xi32, #tpu.memory_space<vmem>>
    %dma_start3A_203 = arith.constant 0 : i32
    %dma_start3A_204 = arith.constant 0 : i32
    %dma_start3A_205 = tpu.memref_slice %arg19[%dma_start3A_203, %dma_start3A_204] : memref<10016x32xbf16, #tpu.memory_space<vmem_shared>> -> memref<10016x32xbf16, #tpu.memory_space<vmem_shared>>
    tpu.enqueue_indirect_dma source(%arg12 : memref<128x32xbf16, #tpu.memory_space<vmem>>) target(%dma_start3A_205 : memref<10016x32xbf16, #tpu.memory_space<vmem_shared>>) offsets(%dma_start3A_202 : memref<128xi32, #tpu.memory_space<vmem>>) semaphore(%arg34 : memref<!tpu.dma_semaphore, #tpu.memory_space<semaphore_mem>>) {add = true}
    %dma_wait3A_206 = arith.constant 0 : i32
    %dma_wait3A_207 = arith.constant 0 : i32
    %dma_wait3A_208 = tpu.memref_slice %arg11[%dma_wait3A_206, %dma_wait3A_207] : memref<80x128xi32, #tpu.memory_space<vmem>> -> memref<1x128xi32, #tpu.memory_space<vmem>>
    %dma_wait3A_209 = tpu.memref_squeeze %dma_wait3A_208 : memref<1x128xi32, #tpu.memory_space<vmem>> -> memref<128xi32, #tpu.memory_space<vmem>>
    %dma_wait3A_210 = arith.constant 0 : i32
    %dma_wait3A_211 = arith.constant 0 : i32
    %dma_wait3A_212 = tpu.memref_slice %arg18[%dma_wait3A_210, %dma_wait3A_211] : memref<10016x128xbf16, #tpu.memory_space<vmem_shared>> -> memref<10016x128xbf16, #tpu.memory_space<vmem_shared>>
    tpu.wait_indirect_dma semaphore(%arg28 : memref<!tpu.dma_semaphore, #tpu.memory_space<semaphore_mem>>) src(%arg16 : memref<128x128xbf16, #tpu.memory_space<vmem>>) dst(%dma_wait3A_212 : memref<10016x128xbf16, #tpu.memory_space<vmem_shared>>)
    %dma_wait3A_213 = arith.constant 0 : i32
    %dma_wait3A_214 = arith.constant 0 : i32
    %dma_wait3A_215 = tpu.memref_slice %arg11[%dma_wait3A_213, %dma_wait3A_214] : memref<80x128xi32, #tpu.memory_space<vmem>> -> memref<1x128xi32, #tpu.memory_space<vmem>>
    %dma_wait3A_216 = tpu.memref_squeeze %dma_wait3A_215 : memref<1x128xi32, #tpu.memory_space<vmem>> -> memref<128xi32, #tpu.memory_space<vmem>>
    %dma_wait3A_217 = arith.constant 0 : i32
    %dma_wait3A_218 = arith.constant 0 : i32
    %dma_wait3A_219 = tpu.memref_slice %arg19[%dma_wait3A_217, %dma_wait3A_218] : memref<10016x32xbf16, #tpu.memory_space<vmem_shared>> -> memref<10016x32xbf16, #tpu.memory_space<vmem_shared>>
    tpu.wait_indirect_dma semaphore(%arg33 : memref<!tpu.dma_semaphore, #tpu.memory_space<semaphore_mem>>) src(%arg12 : memref<128x32xbf16, #tpu.memory_space<vmem>>) dst(%dma_wait3A_219 : memref<10016x32xbf16, #tpu.memory_space<vmem_shared>>)
    %dma_start3A_220 = arith.constant 8 : i32
    %dma_start3A_221 = arith.constant 0 : i32
    %dma_start3A_222 = tpu.memref_slice %arg10[%dma_start3A_220, %dma_start3A_221] : memref<80x128xi32, #tpu.memory_space<vmem>> -> memref<1x128xi32, #tpu.memory_space<vmem>>
    %dma_start3A_223 = tpu.memref_squeeze %dma_start3A_222 : memref<1x128xi32, #tpu.memory_space<vmem>> -> memref<128xi32, #tpu.memory_space<vmem>>
    %dma_start3A_224 = arith.constant 0 : i32
    %dma_start3A_225 = arith.constant 0 : i32
    %dma_start3A_226 = tpu.memref_slice %arg2[%dma_start3A_224, %dma_start3A_225] : memref<10000x128xbf16, #tpu.memory_space<hbm>> -> memref<10000x128xbf16, #tpu.memory_space<hbm>>
    tpu.enqueue_indirect_dma source(%dma_start3A_226 : memref<10000x128xbf16, #tpu.memory_space<hbm>>) target(%arg16 : memref<128x128xbf16, #tpu.memory_space<vmem>>) offsets(%dma_start3A_223 : memref<128xi32, #tpu.memory_space<vmem>>) semaphore(%arg23 : memref<!tpu.dma_semaphore, #tpu.memory_space<semaphore_mem>>)
    %scan3A = arith.constant 0 : i32
    %scan3A_227 = arith.constant 15 : i32
    %scan3A_228 = arith.addi %scan3A, %scan3A_227 : i32
    %scan3A_229 = arith.constant 1 : i32
    scf.for %scan3A_304 = %scan3A to %scan3A_228 step %scan3A_229  : i32 {
      %mul3A_305 = arith.constant 5 : i32
      %mul3A_306 = arith.muli %scan3A_304, %mul3A_305 : i32
      %add3A_307 = arith.constant 5 : i32
      %add3A_308 = arith.addi %add3A_307, %mul3A_306 : i32
      %add3A_309 = arith.constant 0 : i32
      %add3A_310 = arith.addi %add3A_308, %add3A_309 : i32
      %dma_wait3A_311 = arith.constant 0 : i32
      %dma_wait3A_312 = tpu.memref_slice %arg10[%add3A_310, %dma_wait3A_311] : memref<80x128xi32, #tpu.memory_space<vmem>> -> memref<1x128xi32, #tpu.memory_space<vmem>>
      %dma_wait3A_313 = tpu.memref_squeeze %dma_wait3A_312 : memref<1x128xi32, #tpu.memory_space<vmem>> -> memref<128xi32, #tpu.memory_space<vmem>>
      %dma_wait3A_314 = arith.constant 0 : i32
      %dma_wait3A_315 = arith.constant 0 : i32
      %dma_wait3A_316 = tpu.memref_slice %arg2[%dma_wait3A_314, %dma_wait3A_315] : memref<10000x128xbf16, #tpu.memory_space<hbm>> -> memref<10000x128xbf16, #tpu.memory_space<hbm>>
      tpu.wait_indirect_dma semaphore(%arg20 : memref<!tpu.dma_semaphore, #tpu.memory_space<semaphore_mem>>) src(%dma_wait3A_316 : memref<10000x128xbf16, #tpu.memory_space<hbm>>) dst(%arg13 : memref<128x128xbf16, #tpu.memory_space<vmem>>)
      %dma_start3A_317 = arith.constant 0 : i32
      %dma_start3A_318 = tpu.memref_slice %arg11[%add3A_310, %dma_start3A_317] : memref<80x128xi32, #tpu.memory_space<vmem>> -> memref<1x128xi32, #tpu.memory_space<vmem>>
      %dma_start3A_319 = tpu.memref_squeeze %dma_start3A_318 : memref<1x128xi32, #tpu.memory_space<vmem>> -> memref<128xi32, #tpu.memory_space<vmem>>
      %dma_start3A_320 = arith.constant 0 : i32
      %dma_start3A_321 = arith.constant 0 : i32
      %dma_start3A_322 = tpu.memref_slice %arg18[%dma_start3A_320, %dma_start3A_321] : memref<10016x128xbf16, #tpu.memory_space<vmem_shared>> -> memref<10016x128xbf16, #tpu.memory_space<vmem_shared>>
      tpu.enqueue_indirect_dma source(%arg13 : memref<128x128xbf16, #tpu.memory_space<vmem>>) target(%dma_start3A_322 : memref<10016x128xbf16, #tpu.memory_space<vmem_shared>>) offsets(%dma_start3A_319 : memref<128xi32, #tpu.memory_space<vmem>>) semaphore(%arg25 : memref<!tpu.dma_semaphore, #tpu.memory_space<semaphore_mem>>) {add = true}
      %dma_start3A_323 = arith.constant 0 : i32
      %dma_start3A_324 = tpu.memref_slice %arg11[%add3A_310, %dma_start3A_323] : memref<80x128xi32, #tpu.memory_space<vmem>> -> memref<1x128xi32, #tpu.memory_space<vmem>>
      %dma_start3A_325 = tpu.memref_squeeze %dma_start3A_324 : memref<1x128xi32, #tpu.memory_space<vmem>> -> memref<128xi32, #tpu.memory_space<vmem>>
      %dma_start3A_326 = arith.constant 0 : i32
      %dma_start3A_327 = arith.constant 0 : i32
      %dma_start3A_328 = tpu.memref_slice %arg19[%dma_start3A_326, %dma_start3A_327] : memref<10016x32xbf16, #tpu.memory_space<vmem_shared>> -> memref<10016x32xbf16, #tpu.memory_space<vmem_shared>>
      tpu.enqueue_indirect_dma source(%arg12 : memref<128x32xbf16, #tpu.memory_space<vmem>>) target(%dma_start3A_328 : memref<10016x32xbf16, #tpu.memory_space<vmem_shared>>) offsets(%dma_start3A_325 : memref<128xi32, #tpu.memory_space<vmem>>) semaphore(%arg30 : memref<!tpu.dma_semaphore, #tpu.memory_space<semaphore_mem>>) {add = true}
      %add3A_329 = arith.constant 5 : i32
      %add3A_330 = arith.addi %add3A_310, %add3A_329 : i32
      %sub3A = arith.constant 1 : i32
      %sub3A_331 = arith.subi %add3A_330, %sub3A : i32
      %lt3A = arith.constant 80 : i32
      %lt3A_332 = arith.cmpi slt, %sub3A_331, %lt3A : i32
      %convert_element_type3A = arith.extui %lt3A_332 : i1 to i32
      %cond3A = arith.constant 0 : i32
      %cond3A_333 = arith.cmpi ne, %convert_element_type3A, %cond3A : i32
      scf.if %cond3A_333 {
        %dma_wait3A_450 = arith.constant 0 : i32
        %dma_wait3A_451 = arith.constant 0 : i32
        %dma_wait3A_452 = tpu.memref_slice %arg11[%dma_wait3A_450, %dma_wait3A_451] : memref<80x128xi32, #tpu.memory_space<vmem>> -> memref<1x128xi32, #tpu.memory_space<vmem>>
        %dma_wait3A_453 = tpu.memref_squeeze %dma_wait3A_452 : memref<1x128xi32, #tpu.memory_space<vmem>> -> memref<128xi32, #tpu.memory_space<vmem>>
        %dma_wait3A_454 = arith.constant 0 : i32
        %dma_wait3A_455 = arith.constant 0 : i32
        %dma_wait3A_456 = tpu.memref_slice %arg18[%dma_wait3A_454, %dma_wait3A_455] : memref<10016x128xbf16, #tpu.memory_space<vmem_shared>> -> memref<10016x128xbf16, #tpu.memory_space<vmem_shared>>
        tpu.wait_indirect_dma semaphore(%arg29 : memref<!tpu.dma_semaphore, #tpu.memory_space<semaphore_mem>>) src(%arg17 : memref<128x128xbf16, #tpu.memory_space<vmem>>) dst(%dma_wait3A_456 : memref<10016x128xbf16, #tpu.memory_space<vmem_shared>>)
        %dma_wait3A_457 = arith.constant 0 : i32
        %dma_wait3A_458 = arith.constant 0 : i32
        %dma_wait3A_459 = tpu.memref_slice %arg11[%dma_wait3A_457, %dma_wait3A_458] : memref<80x128xi32, #tpu.memory_space<vmem>> -> memref<1x128xi32, #tpu.memory_space<vmem>>
        %dma_wait3A_460 = tpu.memref_squeeze %dma_wait3A_459 : memref<1x128xi32, #tpu.memory_space<vmem>> -> memref<128xi32, #tpu.memory_space<vmem>>
        %dma_wait3A_461 = arith.constant 0 : i32
        %dma_wait3A_462 = arith.constant 0 : i32
        %dma_wait3A_463 = tpu.memref_slice %arg19[%dma_wait3A_461, %dma_wait3A_462] : memref<10016x32xbf16, #tpu.memory_space<vmem_shared>> -> memref<10016x32xbf16, #tpu.memory_space<vmem_shared>>
        tpu.wait_indirect_dma semaphore(%arg34 : memref<!tpu.dma_semaphore, #tpu.memory_space<semaphore_mem>>) src(%arg12 : memref<128x32xbf16, #tpu.memory_space<vmem>>) dst(%dma_wait3A_463 : memref<10016x32xbf16, #tpu.memory_space<vmem_shared>>)
        %add3A_464 = arith.constant 5 : i32
        %add3A_465 = arith.addi %add3A_310, %add3A_464 : i32
        %sub3A_466 = arith.constant 1 : i32
        %sub3A_467 = arith.subi %add3A_465, %sub3A_466 : i32
        %dma_start3A_468 = arith.constant 0 : i32
        %dma_start3A_469 = tpu.memref_slice %arg10[%sub3A_467, %dma_start3A_468] : memref<80x128xi32, #tpu.memory_space<vmem>> -> memref<1x128xi32, #tpu.memory_space<vmem>>
        %dma_start3A_470 = tpu.memref_squeeze %dma_start3A_469 : memref<1x128xi32, #tpu.memory_space<vmem>> -> memref<128xi32, #tpu.memory_space<vmem>>
        %dma_start3A_471 = arith.constant 0 : i32
        %dma_start3A_472 = arith.constant 0 : i32
        %dma_start3A_473 = tpu.memref_slice %arg2[%dma_start3A_471, %dma_start3A_472] : memref<10000x128xbf16, #tpu.memory_space<hbm>> -> memref<10000x128xbf16, #tpu.memory_space<hbm>>
        tpu.enqueue_indirect_dma source(%dma_start3A_473 : memref<10000x128xbf16, #tpu.memory_space<hbm>>) target(%arg17 : memref<128x128xbf16, #tpu.memory_space<vmem>>) offsets(%dma_start3A_470 : memref<128xi32, #tpu.memory_space<vmem>>) semaphore(%arg24 : memref<!tpu.dma_semaphore, #tpu.memory_space<semaphore_mem>>)
      } else {
      }
      %add3A_334 = arith.constant 1 : i32
      %add3A_335 = arith.addi %add3A_308, %add3A_334 : i32
      %dma_wait3A_336 = arith.constant 0 : i32
      %dma_wait3A_337 = tpu.memref_slice %arg10[%add3A_335, %dma_wait3A_336] : memref<80x128xi32, #tpu.memory_space<vmem>> -> memref<1x128xi32, #tpu.memory_space<vmem>>
      %dma_wait3A_338 = tpu.memref_squeeze %dma_wait3A_337 : memref<1x128xi32, #tpu.memory_space<vmem>> -> memref<128xi32, #tpu.memory_space<vmem>>
      %dma_wait3A_339 = arith.constant 0 : i32
      %dma_wait3A_340 = arith.constant 0 : i32
      %dma_wait3A_341 = tpu.memref_slice %arg2[%dma_wait3A_339, %dma_wait3A_340] : memref<10000x128xbf16, #tpu.memory_space<hbm>> -> memref<10000x128xbf16, #tpu.memory_space<hbm>>
      tpu.wait_indirect_dma semaphore(%arg21 : memref<!tpu.dma_semaphore, #tpu.memory_space<semaphore_mem>>) src(%dma_wait3A_341 : memref<10000x128xbf16, #tpu.memory_space<hbm>>) dst(%arg14 : memref<128x128xbf16, #tpu.memory_space<vmem>>)
      %dma_start3A_342 = arith.constant 0 : i32
      %dma_start3A_343 = tpu.memref_slice %arg11[%add3A_335, %dma_start3A_342] : memref<80x128xi32, #tpu.memory_space<vmem>> -> memref<1x128xi32, #tpu.memory_space<vmem>>
      %dma_start3A_344 = tpu.memref_squeeze %dma_start3A_343 : memref<1x128xi32, #tpu.memory_space<vmem>> -> memref<128xi32, #tpu.memory_space<vmem>>
      %dma_start3A_345 = arith.constant 0 : i32
      %dma_start3A_346 = arith.constant 0 : i32
      %dma_start3A_347 = tpu.memref_slice %arg18[%dma_start3A_345, %dma_start3A_346] : memref<10016x128xbf16, #tpu.memory_space<vmem_shared>> -> memref<10016x128xbf16, #tpu.memory_space<vmem_shared>>
      tpu.enqueue_indirect_dma source(%arg14 : memref<128x128xbf16, #tpu.memory_space<vmem>>) target(%dma_start3A_347 : memref<10016x128xbf16, #tpu.memory_space<vmem_shared>>) offsets(%dma_start3A_344 : memref<128xi32, #tpu.memory_space<vmem>>) semaphore(%arg26 : memref<!tpu.dma_semaphore, #tpu.memory_space<semaphore_mem>>) {add = true}
      %dma_start3A_348 = arith.constant 0 : i32
      %dma_start3A_349 = tpu.memref_slice %arg11[%add3A_335, %dma_start3A_348] : memref<80x128xi32, #tpu.memory_space<vmem>> -> memref<1x128xi32, #tpu.memory_space<vmem>>
      %dma_start3A_350 = tpu.memref_squeeze %dma_start3A_349 : memref<1x128xi32, #tpu.memory_space<vmem>> -> memref<128xi32, #tpu.memory_space<vmem>>
      %dma_start3A_351 = arith.constant 0 : i32
      %dma_start3A_352 = arith.constant 0 : i32
      %dma_start3A_353 = tpu.memref_slice %arg19[%dma_start3A_351, %dma_start3A_352] : memref<10016x32xbf16, #tpu.memory_space<vmem_shared>> -> memref<10016x32xbf16, #tpu.memory_space<vmem_shared>>
      tpu.enqueue_indirect_dma source(%arg12 : memref<128x32xbf16, #tpu.memory_space<vmem>>) target(%dma_start3A_353 : memref<10016x32xbf16, #tpu.memory_space<vmem_shared>>) offsets(%dma_start3A_350 : memref<128xi32, #tpu.memory_space<vmem>>) semaphore(%arg31 : memref<!tpu.dma_semaphore, #tpu.memory_space<semaphore_mem>>) {add = true}
      %add3A_354 = arith.constant 5 : i32
      %add3A_355 = arith.addi %add3A_335, %add3A_354 : i32
      %sub3A_356 = arith.constant 1 : i32
      %sub3A_357 = arith.subi %add3A_355, %sub3A_356 : i32
      %lt3A_358 = arith.constant 80 : i32
      %lt3A_359 = arith.cmpi slt, %sub3A_357, %lt3A_358 : i32
      %convert_element_type3A_360 = arith.extui %lt3A_359 : i1 to i32
      %cond3A_361 = arith.constant 0 : i32
      %cond3A_362 = arith.cmpi ne, %convert_element_type3A_360, %cond3A_361 : i32
      scf.if %cond3A_362 {
        %dma_wait3A_450 = arith.constant 0 : i32
        %dma_wait3A_451 = arith.constant 0 : i32
        %dma_wait3A_452 = tpu.memref_slice %arg11[%dma_wait3A_450, %dma_wait3A_451] : memref<80x128xi32, #tpu.memory_space<vmem>> -> memref<1x128xi32, #tpu.memory_space<vmem>>
        %dma_wait3A_453 = tpu.memref_squeeze %dma_wait3A_452 : memref<1x128xi32, #tpu.memory_space<vmem>> -> memref<128xi32, #tpu.memory_space<vmem>>
        %dma_wait3A_454 = arith.constant 0 : i32
        %dma_wait3A_455 = arith.constant 0 : i32
        %dma_wait3A_456 = tpu.memref_slice %arg18[%dma_wait3A_454, %dma_wait3A_455] : memref<10016x128xbf16, #tpu.memory_space<vmem_shared>> -> memref<10016x128xbf16, #tpu.memory_space<vmem_shared>>
        tpu.wait_indirect_dma semaphore(%arg25 : memref<!tpu.dma_semaphore, #tpu.memory_space<semaphore_mem>>) src(%arg13 : memref<128x128xbf16, #tpu.memory_space<vmem>>) dst(%dma_wait3A_456 : memref<10016x128xbf16, #tpu.memory_space<vmem_shared>>)
        %dma_wait3A_457 = arith.constant 0 : i32
        %dma_wait3A_458 = arith.constant 0 : i32
        %dma_wait3A_459 = tpu.memref_slice %arg11[%dma_wait3A_457, %dma_wait3A_458] : memref<80x128xi32, #tpu.memory_space<vmem>> -> memref<1x128xi32, #tpu.memory_space<vmem>>
        %dma_wait3A_460 = tpu.memref_squeeze %dma_wait3A_459 : memref<1x128xi32, #tpu.memory_space<vmem>> -> memref<128xi32, #tpu.memory_space<vmem>>
        %dma_wait3A_461 = arith.constant 0 : i32
        %dma_wait3A_462 = arith.constant 0 : i32
        %dma_wait3A_463 = tpu.memref_slice %arg19[%dma_wait3A_461, %dma_wait3A_462] : memref<10016x32xbf16, #tpu.memory_space<vmem_shared>> -> memref<10016x32xbf16, #tpu.memory_space<vmem_shared>>
        tpu.wait_indirect_dma semaphore(%arg30 : memref<!tpu.dma_semaphore, #tpu.memory_space<semaphore_mem>>) src(%arg12 : memref<128x32xbf16, #tpu.memory_space<vmem>>) dst(%dma_wait3A_463 : memref<10016x32xbf16, #tpu.memory_space<vmem_shared>>)
        %add3A_464 = arith.constant 5 : i32
        %add3A_465 = arith.addi %add3A_335, %add3A_464 : i32
        %sub3A_466 = arith.constant 1 : i32
        %sub3A_467 = arith.subi %add3A_465, %sub3A_466 : i32
        %dma_start3A_468 = arith.constant 0 : i32
        %dma_start3A_469 = tpu.memref_slice %arg10[%sub3A_467, %dma_start3A_468] : memref<80x128xi32, #tpu.memory_space<vmem>> -> memref<1x128xi32, #tpu.memory_space<vmem>>
        %dma_start3A_470 = tpu.memref_squeeze %dma_start3A_469 : memref<1x128xi32, #tpu.memory_space<vmem>> -> memref<128xi32, #tpu.memory_space<vmem>>
        %dma_start3A_471 = arith.constant 0 : i32
        %dma_start3A_472 = arith.constant 0 : i32
        %dma_start3A_473 = tpu.memref_slice %arg2[%dma_start3A_471, %dma_start3A_472] : memref<10000x128xbf16, #tpu.memory_space<hbm>> -> memref<10000x128xbf16, #tpu.memory_space<hbm>>
        tpu.enqueue_indirect_dma source(%dma_start3A_473 : memref<10000x128xbf16, #tpu.memory_space<hbm>>) target(%arg13 : memref<128x128xbf16, #tpu.memory_space<vmem>>) offsets(%dma_start3A_470 : memref<128xi32, #tpu.memory_space<vmem>>) semaphore(%arg20 : memref<!tpu.dma_semaphore, #tpu.memory_space<semaphore_mem>>)
      } else {
      }
      %add3A_363 = arith.constant 2 : i32
      %add3A_364 = arith.addi %add3A_308, %add3A_363 : i32
      %dma_wait3A_365 = arith.constant 0 : i32
      %dma_wait3A_366 = tpu.memref_slice %arg10[%add3A_364, %dma_wait3A_365] : memref<80x128xi32, #tpu.memory_space<vmem>> -> memref<1x128xi32, #tpu.memory_space<vmem>>
      %dma_wait3A_367 = tpu.memref_squeeze %dma_wait3A_366 : memref<1x128xi32, #tpu.memory_space<vmem>> -> memref<128xi32, #tpu.memory_space<vmem>>
      %dma_wait3A_368 = arith.constant 0 : i32
      %dma_wait3A_369 = arith.constant 0 : i32
      %dma_wait3A_370 = tpu.memref_slice %arg2[%dma_wait3A_368, %dma_wait3A_369] : memref<10000x128xbf16, #tpu.memory_space<hbm>> -> memref<10000x128xbf16, #tpu.memory_space<hbm>>
      tpu.wait_indirect_dma semaphore(%arg22 : memref<!tpu.dma_semaphore, #tpu.memory_space<semaphore_mem>>) src(%dma_wait3A_370 : memref<10000x128xbf16, #tpu.memory_space<hbm>>) dst(%arg15 : memref<128x128xbf16, #tpu.memory_space<vmem>>)
      %dma_start3A_371 = arith.constant 0 : i32
      %dma_start3A_372 = tpu.memref_slice %arg11[%add3A_364, %dma_start3A_371] : memref<80x128xi32, #tpu.memory_space<vmem>> -> memref<1x128xi32, #tpu.memory_space<vmem>>
      %dma_start3A_373 = tpu.memref_squeeze %dma_start3A_372 : memref<1x128xi32, #tpu.memory_space<vmem>> -> memref<128xi32, #tpu.memory_space<vmem>>
      %dma_start3A_374 = arith.constant 0 : i32
      %dma_start3A_375 = arith.constant 0 : i32
      %dma_start3A_376 = tpu.memref_slice %arg18[%dma_start3A_374, %dma_start3A_375] : memref<10016x128xbf16, #tpu.memory_space<vmem_shared>> -> memref<10016x128xbf16, #tpu.memory_space<vmem_shared>>
      tpu.enqueue_indirect_dma source(%arg15 : memref<128x128xbf16, #tpu.memory_space<vmem>>) target(%dma_start3A_376 : memref<10016x128xbf16, #tpu.memory_space<vmem_shared>>) offsets(%dma_start3A_373 : memref<128xi32, #tpu.memory_space<vmem>>) semaphore(%arg27 : memref<!tpu.dma_semaphore, #tpu.memory_space<semaphore_mem>>) {add = true}
      %dma_start3A_377 = arith.constant 0 : i32
      %dma_start3A_378 = tpu.memref_slice %arg11[%add3A_364, %dma_start3A_377] : memref<80x128xi32, #tpu.memory_space<vmem>> -> memref<1x128xi32, #tpu.memory_space<vmem>>
      %dma_start3A_379 = tpu.memref_squeeze %dma_start3A_378 : memref<1x128xi32, #tpu.memory_space<vmem>> -> memref<128xi32, #tpu.memory_space<vmem>>
      %dma_start3A_380 = arith.constant 0 : i32
      %dma_start3A_381 = arith.constant 0 : i32
      %dma_start3A_382 = tpu.memref_slice %arg19[%dma_start3A_380, %dma_start3A_381] : memref<10016x32xbf16, #tpu.memory_space<vmem_shared>> -> memref<10016x32xbf16, #tpu.memory_space<vmem_shared>>
      tpu.enqueue_indirect_dma source(%arg12 : memref<128x32xbf16, #tpu.memory_space<vmem>>) target(%dma_start3A_382 : memref<10016x32xbf16, #tpu.memory_space<vmem_shared>>) offsets(%dma_start3A_379 : memref<128xi32, #tpu.memory_space<vmem>>) semaphore(%arg32 : memref<!tpu.dma_semaphore, #tpu.memory_space<semaphore_mem>>) {add = true}
      %add3A_383 = arith.constant 5 : i32
      %add3A_384 = arith.addi %add3A_364, %add3A_383 : i32
      %sub3A_385 = arith.constant 1 : i32
      %sub3A_386 = arith.subi %add3A_384, %sub3A_385 : i32
      %lt3A_387 = arith.constant 80 : i32
      %lt3A_388 = arith.cmpi slt, %sub3A_386, %lt3A_387 : i32
      %convert_element_type3A_389 = arith.extui %lt3A_388 : i1 to i32
      %cond3A_390 = arith.constant 0 : i32
      %cond3A_391 = arith.cmpi ne, %convert_element_type3A_389, %cond3A_390 : i32
      scf.if %cond3A_391 {
        %dma_wait3A_450 = arith.constant 0 : i32
        %dma_wait3A_451 = arith.constant 0 : i32
        %dma_wait3A_452 = tpu.memref_slice %arg11[%dma_wait3A_450, %dma_wait3A_451] : memref<80x128xi32, #tpu.memory_space<vmem>> -> memref<1x128xi32, #tpu.memory_space<vmem>>
        %dma_wait3A_453 = tpu.memref_squeeze %dma_wait3A_452 : memref<1x128xi32, #tpu.memory_space<vmem>> -> memref<128xi32, #tpu.memory_space<vmem>>
        %dma_wait3A_454 = arith.constant 0 : i32
        %dma_wait3A_455 = arith.constant 0 : i32
        %dma_wait3A_456 = tpu.memref_slice %arg18[%dma_wait3A_454, %dma_wait3A_455] : memref<10016x128xbf16, #tpu.memory_space<vmem_shared>> -> memref<10016x128xbf16, #tpu.memory_space<vmem_shared>>
        tpu.wait_indirect_dma semaphore(%arg26 : memref<!tpu.dma_semaphore, #tpu.memory_space<semaphore_mem>>) src(%arg14 : memref<128x128xbf16, #tpu.memory_space<vmem>>) dst(%dma_wait3A_456 : memref<10016x128xbf16, #tpu.memory_space<vmem_shared>>)
        %dma_wait3A_457 = arith.constant 0 : i32
        %dma_wait3A_458 = arith.constant 0 : i32
        %dma_wait3A_459 = tpu.memref_slice %arg11[%dma_wait3A_457, %dma_wait3A_458] : memref<80x128xi32, #tpu.memory_space<vmem>> -> memref<1x128xi32, #tpu.memory_space<vmem>>
        %dma_wait3A_460 = tpu.memref_squeeze %dma_wait3A_459 : memref<1x128xi32, #tpu.memory_space<vmem>> -> memref<128xi32, #tpu.memory_space<vmem>>
        %dma_wait3A_461 = arith.constant 0 : i32
        %dma_wait3A_462 = arith.constant 0 : i32
        %dma_wait3A_463 = tpu.memref_slice %arg19[%dma_wait3A_461, %dma_wait3A_462] : memref<10016x32xbf16, #tpu.memory_space<vmem_shared>> -> memref<10016x32xbf16, #tpu.memory_space<vmem_shared>>
        tpu.wait_indirect_dma semaphore(%arg31 : memref<!tpu.dma_semaphore, #tpu.memory_space<semaphore_mem>>) src(%arg12 : memref<128x32xbf16, #tpu.memory_space<vmem>>) dst(%dma_wait3A_463 : memref<10016x32xbf16, #tpu.memory_space<vmem_shared>>)
        %add3A_464 = arith.constant 5 : i32
        %add3A_465 = arith.addi %add3A_364, %add3A_464 : i32
        %sub3A_466 = arith.constant 1 : i32
        %sub3A_467 = arith.subi %add3A_465, %sub3A_466 : i32
        %dma_start3A_468 = arith.constant 0 : i32
        %dma_start3A_469 = tpu.memref_slice %arg10[%sub3A_467, %dma_start3A_468] : memref<80x128xi32, #tpu.memory_space<vmem>> -> memref<1x128xi32, #tpu.memory_space<vmem>>
        %dma_start3A_470 = tpu.memref_squeeze %dma_start3A_469 : memref<1x128xi32, #tpu.memory_space<vmem>> -> memref<128xi32, #tpu.memory_space<vmem>>
        %dma_start3A_471 = arith.constant 0 : i32
        %dma_start3A_472 = arith.constant 0 : i32
        %dma_start3A_473 = tpu.memref_slice %arg2[%dma_start3A_471, %dma_start3A_472] : memref<10000x128xbf16, #tpu.memory_space<hbm>> -> memref<10000x128xbf16, #tpu.memory_space<hbm>>
        tpu.enqueue_indirect_dma source(%dma_start3A_473 : memref<10000x128xbf16, #tpu.memory_space<hbm>>) target(%arg14 : memref<128x128xbf16, #tpu.memory_space<vmem>>) offsets(%dma_start3A_470 : memref<128xi32, #tpu.memory_space<vmem>>) semaphore(%arg21 : memref<!tpu.dma_semaphore, #tpu.memory_space<semaphore_mem>>)
      } else {
      }
      %add3A_392 = arith.constant 3 : i32
      %add3A_393 = arith.addi %add3A_308, %add3A_392 : i32
      %dma_wait3A_394 = arith.constant 0 : i32
      %dma_wait3A_395 = tpu.memref_slice %arg10[%add3A_393, %dma_wait3A_394] : memref<80x128xi32, #tpu.memory_space<vmem>> -> memref<1x128xi32, #tpu.memory_space<vmem>>
      %dma_wait3A_396 = tpu.memref_squeeze %dma_wait3A_395 : memref<1x128xi32, #tpu.memory_space<vmem>> -> memref<128xi32, #tpu.memory_space<vmem>>
      %dma_wait3A_397 = arith.constant 0 : i32
      %dma_wait3A_398 = arith.constant 0 : i32
      %dma_wait3A_399 = tpu.memref_slice %arg2[%dma_wait3A_397, %dma_wait3A_398] : memref<10000x128xbf16, #tpu.memory_space<hbm>> -> memref<10000x128xbf16, #tpu.memory_space<hbm>>
      tpu.wait_indirect_dma semaphore(%arg23 : memref<!tpu.dma_semaphore, #tpu.memory_space<semaphore_mem>>) src(%dma_wait3A_399 : memref<10000x128xbf16, #tpu.memory_space<hbm>>) dst(%arg16 : memref<128x128xbf16, #tpu.memory_space<vmem>>)
      %dma_start3A_400 = arith.constant 0 : i32
      %dma_start3A_401 = tpu.memref_slice %arg11[%add3A_393, %dma_start3A_400] : memref<80x128xi32, #tpu.memory_space<vmem>> -> memref<1x128xi32, #tpu.memory_space<vmem>>
      %dma_start3A_402 = tpu.memref_squeeze %dma_start3A_401 : memref<1x128xi32, #tpu.memory_space<vmem>> -> memref<128xi32, #tpu.memory_space<vmem>>
      %dma_start3A_403 = arith.constant 0 : i32
      %dma_start3A_404 = arith.constant 0 : i32
      %dma_start3A_405 = tpu.memref_slice %arg18[%dma_start3A_403, %dma_start3A_404] : memref<10016x128xbf16, #tpu.memory_space<vmem_shared>> -> memref<10016x128xbf16, #tpu.memory_space<vmem_shared>>
      tpu.enqueue_indirect_dma source(%arg16 : memref<128x128xbf16, #tpu.memory_space<vmem>>) target(%dma_start3A_405 : memref<10016x128xbf16, #tpu.memory_space<vmem_shared>>) offsets(%dma_start3A_402 : memref<128xi32, #tpu.memory_space<vmem>>) semaphore(%arg28 : memref<!tpu.dma_semaphore, #tpu.memory_space<semaphore_mem>>) {add = true}
      %dma_start3A_406 = arith.constant 0 : i32
      %dma_start3A_407 = tpu.memref_slice %arg11[%add3A_393, %dma_start3A_406] : memref<80x128xi32, #tpu.memory_space<vmem>> -> memref<1x128xi32, #tpu.memory_space<vmem>>
      %dma_start3A_408 = tpu.memref_squeeze %dma_start3A_407 : memref<1x128xi32, #tpu.memory_space<vmem>> -> memref<128xi32, #tpu.memory_space<vmem>>
      %dma_start3A_409 = arith.constant 0 : i32
      %dma_start3A_410 = arith.constant 0 : i32
      %dma_start3A_411 = tpu.memref_slice %arg19[%dma_start3A_409, %dma_start3A_410] : memref<10016x32xbf16, #tpu.memory_space<vmem_shared>> -> memref<10016x32xbf16, #tpu.memory_space<vmem_shared>>
      tpu.enqueue_indirect_dma source(%arg12 : memref<128x32xbf16, #tpu.memory_space<vmem>>) target(%dma_start3A_411 : memref<10016x32xbf16, #tpu.memory_space<vmem_shared>>) offsets(%dma_start3A_408 : memref<128xi32, #tpu.memory_space<vmem>>) semaphore(%arg33 : memref<!tpu.dma_semaphore, #tpu.memory_space<semaphore_mem>>) {add = true}
      %add3A_412 = arith.constant 5 : i32
      %add3A_413 = arith.addi %add3A_393, %add3A_412 : i32
      %sub3A_414 = arith.constant 1 : i32
      %sub3A_415 = arith.subi %add3A_413, %sub3A_414 : i32
      %lt3A_416 = arith.constant 80 : i32
      %lt3A_417 = arith.cmpi slt, %sub3A_415, %lt3A_416 : i32
      %convert_element_type3A_418 = arith.extui %lt3A_417 : i1 to i32
      %cond3A_419 = arith.constant 0 : i32
      %cond3A_420 = arith.cmpi ne, %convert_element_type3A_418, %cond3A_419 : i32
      scf.if %cond3A_420 {
        %dma_wait3A_450 = arith.constant 0 : i32
        %dma_wait3A_451 = arith.constant 0 : i32
        %dma_wait3A_452 = tpu.memref_slice %arg11[%dma_wait3A_450, %dma_wait3A_451] : memref<80x128xi32, #tpu.memory_space<vmem>> -> memref<1x128xi32, #tpu.memory_space<vmem>>
        %dma_wait3A_453 = tpu.memref_squeeze %dma_wait3A_452 : memref<1x128xi32, #tpu.memory_space<vmem>> -> memref<128xi32, #tpu.memory_space<vmem>>
        %dma_wait3A_454 = arith.constant 0 : i32
        %dma_wait3A_455 = arith.constant 0 : i32
        %dma_wait3A_456 = tpu.memref_slice %arg18[%dma_wait3A_454, %dma_wait3A_455] : memref<10016x128xbf16, #tpu.memory_space<vmem_shared>> -> memref<10016x128xbf16, #tpu.memory_space<vmem_shared>>
        tpu.wait_indirect_dma semaphore(%arg27 : memref<!tpu.dma_semaphore, #tpu.memory_space<semaphore_mem>>) src(%arg15 : memref<128x128xbf16, #tpu.memory_space<vmem>>) dst(%dma_wait3A_456 : memref<10016x128xbf16, #tpu.memory_space<vmem_shared>>)
        %dma_wait3A_457 = arith.constant 0 : i32
        %dma_wait3A_458 = arith.constant 0 : i32
        %dma_wait3A_459 = tpu.memref_slice %arg11[%dma_wait3A_457, %dma_wait3A_458] : memref<80x128xi32, #tpu.memory_space<vmem>> -> memref<1x128xi32, #tpu.memory_space<vmem>>
        %dma_wait3A_460 = tpu.memref_squeeze %dma_wait3A_459 : memref<1x128xi32, #tpu.memory_space<vmem>> -> memref<128xi32, #tpu.memory_space<vmem>>
        %dma_wait3A_461 = arith.constant 0 : i32
        %dma_wait3A_462 = arith.constant 0 : i32
        %dma_wait3A_463 = tpu.memref_slice %arg19[%dma_wait3A_461, %dma_wait3A_462] : memref<10016x32xbf16, #tpu.memory_space<vmem_shared>> -> memref<10016x32xbf16, #tpu.memory_space<vmem_shared>>
        tpu.wait_indirect_dma semaphore(%arg32 : memref<!tpu.dma_semaphore, #tpu.memory_space<semaphore_mem>>) src(%arg12 : memref<128x32xbf16, #tpu.memory_space<vmem>>) dst(%dma_wait3A_463 : memref<10016x32xbf16, #tpu.memory_space<vmem_shared>>)
        %add3A_464 = arith.constant 5 : i32
        %add3A_465 = arith.addi %add3A_393, %add3A_464 : i32
        %sub3A_466 = arith.constant 1 : i32
        %sub3A_467 = arith.subi %add3A_465, %sub3A_466 : i32
        %dma_start3A_468 = arith.constant 0 : i32
        %dma_start3A_469 = tpu.memref_slice %arg10[%sub3A_467, %dma_start3A_468] : memref<80x128xi32, #tpu.memory_space<vmem>> -> memref<1x128xi32, #tpu.memory_space<vmem>>
        %dma_start3A_470 = tpu.memref_squeeze %dma_start3A_469 : memref<1x128xi32, #tpu.memory_space<vmem>> -> memref<128xi32, #tpu.memory_space<vmem>>
        %dma_start3A_471 = arith.constant 0 : i32
        %dma_start3A_472 = arith.constant 0 : i32
        %dma_start3A_473 = tpu.memref_slice %arg2[%dma_start3A_471, %dma_start3A_472] : memref<10000x128xbf16, #tpu.memory_space<hbm>> -> memref<10000x128xbf16, #tpu.memory_space<hbm>>
        tpu.enqueue_indirect_dma source(%dma_start3A_473 : memref<10000x128xbf16, #tpu.memory_space<hbm>>) target(%arg15 : memref<128x128xbf16, #tpu.memory_space<vmem>>) offsets(%dma_start3A_470 : memref<128xi32, #tpu.memory_space<vmem>>) semaphore(%arg22 : memref<!tpu.dma_semaphore, #tpu.memory_space<semaphore_mem>>)
      } else {
      }
      %add3A_421 = arith.constant 4 : i32
      %add3A_422 = arith.addi %add3A_308, %add3A_421 : i32
      %dma_wait3A_423 = arith.constant 0 : i32
      %dma_wait3A_424 = tpu.memref_slice %arg10[%add3A_422, %dma_wait3A_423] : memref<80x128xi32, #tpu.memory_space<vmem>> -> memref<1x128xi32, #tpu.memory_space<vmem>>
      %dma_wait3A_425 = tpu.memref_squeeze %dma_wait3A_424 : memref<1x128xi32, #tpu.memory_space<vmem>> -> memref<128xi32, #tpu.memory_space<vmem>>
      %dma_wait3A_426 = arith.constant 0 : i32
      %dma_wait3A_427 = arith.constant 0 : i32
      %dma_wait3A_428 = tpu.memref_slice %arg2[%dma_wait3A_426, %dma_wait3A_427] : memref<10000x128xbf16, #tpu.memory_space<hbm>> -> memref<10000x128xbf16, #tpu.memory_space<hbm>>
      tpu.wait_indirect_dma semaphore(%arg24 : memref<!tpu.dma_semaphore, #tpu.memory_space<semaphore_mem>>) src(%dma_wait3A_428 : memref<10000x128xbf16, #tpu.memory_space<hbm>>) dst(%arg17 : memref<128x128xbf16, #tpu.memory_space<vmem>>)
      %dma_start3A_429 = arith.constant 0 : i32
      %dma_start3A_430 = tpu.memref_slice %arg11[%add3A_422, %dma_start3A_429] : memref<80x128xi32, #tpu.memory_space<vmem>> -> memref<1x128xi32, #tpu.memory_space<vmem>>
      %dma_start3A_431 = tpu.memref_squeeze %dma_start3A_430 : memref<1x128xi32, #tpu.memory_space<vmem>> -> memref<128xi32, #tpu.memory_space<vmem>>
      %dma_start3A_432 = arith.constant 0 : i32
      %dma_start3A_433 = arith.constant 0 : i32
      %dma_start3A_434 = tpu.memref_slice %arg18[%dma_start3A_432, %dma_start3A_433] : memref<10016x128xbf16, #tpu.memory_space<vmem_shared>> -> memref<10016x128xbf16, #tpu.memory_space<vmem_shared>>
      tpu.enqueue_indirect_dma source(%arg17 : memref<128x128xbf16, #tpu.memory_space<vmem>>) target(%dma_start3A_434 : memref<10016x128xbf16, #tpu.memory_space<vmem_shared>>) offsets(%dma_start3A_431 : memref<128xi32, #tpu.memory_space<vmem>>) semaphore(%arg29 : memref<!tpu.dma_semaphore, #tpu.memory_space<semaphore_mem>>) {add = true}
      %dma_start3A_435 = arith.constant 0 : i32
      %dma_start3A_436 = tpu.memref_slice %arg11[%add3A_422, %dma_start3A_435] : memref<80x128xi32, #tpu.memory_space<vmem>> -> memref<1x128xi32, #tpu.memory_space<vmem>>
      %dma_start3A_437 = tpu.memref_squeeze %dma_start3A_436 : memref<1x128xi32, #tpu.memory_space<vmem>> -> memref<128xi32, #tpu.memory_space<vmem>>
      %dma_start3A_438 = arith.constant 0 : i32
      %dma_start3A_439 = arith.constant 0 : i32
      %dma_start3A_440 = tpu.memref_slice %arg19[%dma_start3A_438, %dma_start3A_439] : memref<10016x32xbf16, #tpu.memory_space<vmem_shared>> -> memref<10016x32xbf16, #tpu.memory_space<vmem_shared>>
      tpu.enqueue_indirect_dma source(%arg12 : memref<128x32xbf16, #tpu.memory_space<vmem>>) target(%dma_start3A_440 : memref<10016x32xbf16, #tpu.memory_space<vmem_shared>>) offsets(%dma_start3A_437 : memref<128xi32, #tpu.memory_space<vmem>>) semaphore(%arg34 : memref<!tpu.dma_semaphore, #tpu.memory_space<semaphore_mem>>) {add = true}
      %add3A_441 = arith.constant 5 : i32
      %add3A_442 = arith.addi %add3A_422, %add3A_441 : i32
      %sub3A_443 = arith.constant 1 : i32
      %sub3A_444 = arith.subi %add3A_442, %sub3A_443 : i32
      %lt3A_445 = arith.constant 80 : i32
      %lt3A_446 = arith.cmpi slt, %sub3A_444, %lt3A_445 : i32
      %convert_element_type3A_447 = arith.extui %lt3A_446 : i1 to i32
      %cond3A_448 = arith.constant 0 : i32
      %cond3A_449 = arith.cmpi ne, %convert_element_type3A_447, %cond3A_448 : i32
      scf.if %cond3A_449 {
        %dma_wait3A_450 = arith.constant 0 : i32
        %dma_wait3A_451 = arith.constant 0 : i32
        %dma_wait3A_452 = tpu.memref_slice %arg11[%dma_wait3A_450, %dma_wait3A_451] : memref<80x128xi32, #tpu.memory_space<vmem>> -> memref<1x128xi32, #tpu.memory_space<vmem>>
        %dma_wait3A_453 = tpu.memref_squeeze %dma_wait3A_452 : memref<1x128xi32, #tpu.memory_space<vmem>> -> memref<128xi32, #tpu.memory_space<vmem>>
        %dma_wait3A_454 = arith.constant 0 : i32
        %dma_wait3A_455 = arith.constant 0 : i32
        %dma_wait3A_456 = tpu.memref_slice %arg18[%dma_wait3A_454, %dma_wait3A_455] : memref<10016x128xbf16, #tpu.memory_space<vmem_shared>> -> memref<10016x128xbf16, #tpu.memory_space<vmem_shared>>
        tpu.wait_indirect_dma semaphore(%arg28 : memref<!tpu.dma_semaphore, #tpu.memory_space<semaphore_mem>>) src(%arg16 : memref<128x128xbf16, #tpu.memory_space<vmem>>) dst(%dma_wait3A_456 : memref<10016x128xbf16, #tpu.memory_space<vmem_shared>>)
        %dma_wait3A_457 = arith.constant 0 : i32
        %dma_wait3A_458 = arith.constant 0 : i32
        %dma_wait3A_459 = tpu.memref_slice %arg11[%dma_wait3A_457, %dma_wait3A_458] : memref<80x128xi32, #tpu.memory_space<vmem>> -> memref<1x128xi32, #tpu.memory_space<vmem>>
        %dma_wait3A_460 = tpu.memref_squeeze %dma_wait3A_459 : memref<1x128xi32, #tpu.memory_space<vmem>> -> memref<128xi32, #tpu.memory_space<vmem>>
        %dma_wait3A_461 = arith.constant 0 : i32
        %dma_wait3A_462 = arith.constant 0 : i32
        %dma_wait3A_463 = tpu.memref_slice %arg19[%dma_wait3A_461, %dma_wait3A_462] : memref<10016x32xbf16, #tpu.memory_space<vmem_shared>> -> memref<10016x32xbf16, #tpu.memory_space<vmem_shared>>
        tpu.wait_indirect_dma semaphore(%arg33 : memref<!tpu.dma_semaphore, #tpu.memory_space<semaphore_mem>>) src(%arg12 : memref<128x32xbf16, #tpu.memory_space<vmem>>) dst(%dma_wait3A_463 : memref<10016x32xbf16, #tpu.memory_space<vmem_shared>>)
        %add3A_464 = arith.constant 5 : i32
        %add3A_465 = arith.addi %add3A_422, %add3A_464 : i32
        %sub3A_466 = arith.constant 1 : i32
        %sub3A_467 = arith.subi %add3A_465, %sub3A_466 : i32
        %dma_start3A_468 = arith.constant 0 : i32
        %dma_start3A_469 = tpu.memref_slice %arg10[%sub3A_467, %dma_start3A_468] : memref<80x128xi32, #tpu.memory_space<vmem>> -> memref<1x128xi32, #tpu.memory_space<vmem>>
        %dma_start3A_470 = tpu.memref_squeeze %dma_start3A_469 : memref<1x128xi32, #tpu.memory_space<vmem>> -> memref<128xi32, #tpu.memory_space<vmem>>
        %dma_start3A_471 = arith.constant 0 : i32
        %dma_start3A_472 = arith.constant 0 : i32
        %dma_start3A_473 = tpu.memref_slice %arg2[%dma_start3A_471, %dma_start3A_472] : memref<10000x128xbf16, #tpu.memory_space<hbm>> -> memref<10000x128xbf16, #tpu.memory_space<hbm>>
        tpu.enqueue_indirect_dma source(%dma_start3A_473 : memref<10000x128xbf16, #tpu.memory_space<hbm>>) target(%arg16 : memref<128x128xbf16, #tpu.memory_space<vmem>>) offsets(%dma_start3A_470 : memref<128xi32, #tpu.memory_space<vmem>>) semaphore(%arg23 : memref<!tpu.dma_semaphore, #tpu.memory_space<semaphore_mem>>)
      } else {
      }
    }
    %scan3A_230 = arith.constant 15 : i32
    %dma_wait3A_231 = arith.constant 0 : i32
    %dma_wait3A_232 = arith.constant 0 : i32
    %dma_wait3A_233 = tpu.memref_slice %arg11[%dma_wait3A_231, %dma_wait3A_232] : memref<80x128xi32, #tpu.memory_space<vmem>> -> memref<1x128xi32, #tpu.memory_space<vmem>>
    %dma_wait3A_234 = tpu.memref_squeeze %dma_wait3A_233 : memref<1x128xi32, #tpu.memory_space<vmem>> -> memref<128xi32, #tpu.memory_space<vmem>>
    %dma_wait3A_235 = arith.constant 0 : i32
    %dma_wait3A_236 = arith.constant 0 : i32
    %dma_wait3A_237 = tpu.memref_slice %arg18[%dma_wait3A_235, %dma_wait3A_236] : memref<10016x128xbf16, #tpu.memory_space<vmem_shared>> -> memref<10016x128xbf16, #tpu.memory_space<vmem_shared>>
    tpu.wait_indirect_dma semaphore(%arg25 : memref<!tpu.dma_semaphore, #tpu.memory_space<semaphore_mem>>) src(%arg13 : memref<128x128xbf16, #tpu.memory_space<vmem>>) dst(%dma_wait3A_237 : memref<10016x128xbf16, #tpu.memory_space<vmem_shared>>)
    %dma_wait3A_238 = arith.constant 0 : i32
    %dma_wait3A_239 = arith.constant 0 : i32
    %dma_wait3A_240 = tpu.memref_slice %arg11[%dma_wait3A_238, %dma_wait3A_239] : memref<80x128xi32, #tpu.memory_space<vmem>> -> memref<1x128xi32, #tpu.memory_space<vmem>>
    %dma_wait3A_241 = tpu.memref_squeeze %dma_wait3A_240 : memref<1x128xi32, #tpu.memory_space<vmem>> -> memref<128xi32, #tpu.memory_space<vmem>>
    %dma_wait3A_242 = arith.constant 0 : i32
    %dma_wait3A_243 = arith.constant 0 : i32
    %dma_wait3A_244 = tpu.memref_slice %arg19[%dma_wait3A_242, %dma_wait3A_243] : memref<10016x32xbf16, #tpu.memory_space<vmem_shared>> -> memref<10016x32xbf16, #tpu.memory_space<vmem_shared>>
    tpu.wait_indirect_dma semaphore(%arg30 : memref<!tpu.dma_semaphore, #tpu.memory_space<semaphore_mem>>) src(%arg12 : memref<128x32xbf16, #tpu.memory_space<vmem>>) dst(%dma_wait3A_244 : memref<10016x32xbf16, #tpu.memory_space<vmem_shared>>)
    %dma_wait3A_245 = arith.constant 0 : i32
    %dma_wait3A_246 = arith.constant 0 : i32
    %dma_wait3A_247 = tpu.memref_slice %arg11[%dma_wait3A_245, %dma_wait3A_246] : memref<80x128xi32, #tpu.memory_space<vmem>> -> memref<1x128xi32, #tpu.memory_space<vmem>>
    %dma_wait3A_248 = tpu.memref_squeeze %dma_wait3A_247 : memref<1x128xi32, #tpu.memory_space<vmem>> -> memref<128xi32, #tpu.memory_space<vmem>>
    %dma_wait3A_249 = arith.constant 0 : i32
    %dma_wait3A_250 = arith.constant 0 : i32
    %dma_wait3A_251 = tpu.memref_slice %arg18[%dma_wait3A_249, %dma_wait3A_250] : memref<10016x128xbf16, #tpu.memory_space<vmem_shared>> -> memref<10016x128xbf16, #tpu.memory_space<vmem_shared>>
    tpu.wait_indirect_dma semaphore(%arg26 : memref<!tpu.dma_semaphore, #tpu.memory_space<semaphore_mem>>) src(%arg14 : memref<128x128xbf16, #tpu.memory_space<vmem>>) dst(%dma_wait3A_251 : memref<10016x128xbf16, #tpu.memory_space<vmem_shared>>)
    %dma_wait3A_252 = arith.constant 0 : i32
    %dma_wait3A_253 = arith.constant 0 : i32
    %dma_wait3A_254 = tpu.memref_slice %arg11[%dma_wait3A_252, %dma_wait3A_253] : memref<80x128xi32, #tpu.memory_space<vmem>> -> memref<1x128xi32, #tpu.memory_space<vmem>>
    %dma_wait3A_255 = tpu.memref_squeeze %dma_wait3A_254 : memref<1x128xi32, #tpu.memory_space<vmem>> -> memref<128xi32, #tpu.memory_space<vmem>>
    %dma_wait3A_256 = arith.constant 0 : i32
    %dma_wait3A_257 = arith.constant 0 : i32
    %dma_wait3A_258 = tpu.memref_slice %arg19[%dma_wait3A_256, %dma_wait3A_257] : memref<10016x32xbf16, #tpu.memory_space<vmem_shared>> -> memref<10016x32xbf16, #tpu.memory_space<vmem_shared>>
    tpu.wait_indirect_dma semaphore(%arg31 : memref<!tpu.dma_semaphore, #tpu.memory_space<semaphore_mem>>) src(%arg12 : memref<128x32xbf16, #tpu.memory_space<vmem>>) dst(%dma_wait3A_258 : memref<10016x32xbf16, #tpu.memory_space<vmem_shared>>)
    %dma_wait3A_259 = arith.constant 0 : i32
    %dma_wait3A_260 = arith.constant 0 : i32
    %dma_wait3A_261 = tpu.memref_slice %arg11[%dma_wait3A_259, %dma_wait3A_260] : memref<80x128xi32, #tpu.memory_space<vmem>> -> memref<1x128xi32, #tpu.memory_space<vmem>>
    %dma_wait3A_262 = tpu.memref_squeeze %dma_wait3A_261 : memref<1x128xi32, #tpu.memory_space<vmem>> -> memref<128xi32, #tpu.memory_space<vmem>>
    %dma_wait3A_263 = arith.constant 0 : i32
    %dma_wait3A_264 = arith.constant 0 : i32
    %dma_wait3A_265 = tpu.memref_slice %arg18[%dma_wait3A_263, %dma_wait3A_264] : memref<10016x128xbf16, #tpu.memory_space<vmem_shared>> -> memref<10016x128xbf16, #tpu.memory_space<vmem_shared>>
    tpu.wait_indirect_dma semaphore(%arg27 : memref<!tpu.dma_semaphore, #tpu.memory_space<semaphore_mem>>) src(%arg15 : memref<128x128xbf16, #tpu.memory_space<vmem>>) dst(%dma_wait3A_265 : memref<10016x128xbf16, #tpu.memory_space<vmem_shared>>)
    %dma_wait3A_266 = arith.constant 0 : i32
    %dma_wait3A_267 = arith.constant 0 : i32
    %dma_wait3A_268 = tpu.memref_slice %arg11[%dma_wait3A_266, %dma_wait3A_267] : memref<80x128xi32, #tpu.memory_space<vmem>> -> memref<1x128xi32, #tpu.memory_space<vmem>>
    %dma_wait3A_269 = tpu.memref_squeeze %dma_wait3A_268 : memref<1x128xi32, #tpu.memory_space<vmem>> -> memref<128xi32, #tpu.memory_space<vmem>>
    %dma_wait3A_270 = arith.constant 0 : i32
    %dma_wait3A_271 = arith.constant 0 : i32
    %dma_wait3A_272 = tpu.memref_slice %arg19[%dma_wait3A_270, %dma_wait3A_271] : memref<10016x32xbf16, #tpu.memory_space<vmem_shared>> -> memref<10016x32xbf16, #tpu.memory_space<vmem_shared>>
    tpu.wait_indirect_dma semaphore(%arg32 : memref<!tpu.dma_semaphore, #tpu.memory_space<semaphore_mem>>) src(%arg12 : memref<128x32xbf16, #tpu.memory_space<vmem>>) dst(%dma_wait3A_272 : memref<10016x32xbf16, #tpu.memory_space<vmem_shared>>)
    %dma_wait3A_273 = arith.constant 0 : i32
    %dma_wait3A_274 = arith.constant 0 : i32
    %dma_wait3A_275 = tpu.memref_slice %arg11[%dma_wait3A_273, %dma_wait3A_274] : memref<80x128xi32, #tpu.memory_space<vmem>> -> memref<1x128xi32, #tpu.memory_space<vmem>>
    %dma_wait3A_276 = tpu.memref_squeeze %dma_wait3A_275 : memref<1x128xi32, #tpu.memory_space<vmem>> -> memref<128xi32, #tpu.memory_space<vmem>>
    %dma_wait3A_277 = arith.constant 0 : i32
    %dma_wait3A_278 = arith.constant 0 : i32
    %dma_wait3A_279 = tpu.memref_slice %arg18[%dma_wait3A_277, %dma_wait3A_278] : memref<10016x128xbf16, #tpu.memory_space<vmem_shared>> -> memref<10016x128xbf16, #tpu.memory_space<vmem_shared>>
    tpu.wait_indirect_dma semaphore(%arg28 : memref<!tpu.dma_semaphore, #tpu.memory_space<semaphore_mem>>) src(%arg16 : memref<128x128xbf16, #tpu.memory_space<vmem>>) dst(%dma_wait3A_279 : memref<10016x128xbf16, #tpu.memory_space<vmem_shared>>)
    %dma_wait3A_280 = arith.constant 0 : i32
    %dma_wait3A_281 = arith.constant 0 : i32
    %dma_wait3A_282 = tpu.memref_slice %arg11[%dma_wait3A_280, %dma_wait3A_281] : memref<80x128xi32, #tpu.memory_space<vmem>> -> memref<1x128xi32, #tpu.memory_space<vmem>>
    %dma_wait3A_283 = tpu.memref_squeeze %dma_wait3A_282 : memref<1x128xi32, #tpu.memory_space<vmem>> -> memref<128xi32, #tpu.memory_space<vmem>>
    %dma_wait3A_284 = arith.constant 0 : i32
    %dma_wait3A_285 = arith.constant 0 : i32
    %dma_wait3A_286 = tpu.memref_slice %arg19[%dma_wait3A_284, %dma_wait3A_285] : memref<10016x32xbf16, #tpu.memory_space<vmem_shared>> -> memref<10016x32xbf16, #tpu.memory_space<vmem_shared>>
    tpu.wait_indirect_dma semaphore(%arg33 : memref<!tpu.dma_semaphore, #tpu.memory_space<semaphore_mem>>) src(%arg12 : memref<128x32xbf16, #tpu.memory_space<vmem>>) dst(%dma_wait3A_286 : memref<10016x32xbf16, #tpu.memory_space<vmem_shared>>)
    %dma_wait3A_287 = arith.constant 0 : i32
    %dma_wait3A_288 = arith.constant 0 : i32
    %dma_wait3A_289 = tpu.memref_slice %arg11[%dma_wait3A_287, %dma_wait3A_288] : memref<80x128xi32, #tpu.memory_space<vmem>> -> memref<1x128xi32, #tpu.memory_space<vmem>>
    %dma_wait3A_290 = tpu.memref_squeeze %dma_wait3A_289 : memref<1x128xi32, #tpu.memory_space<vmem>> -> memref<128xi32, #tpu.memory_space<vmem>>
    %dma_wait3A_291 = arith.constant 0 : i32
    %dma_wait3A_292 = arith.constant 0 : i32
    %dma_wait3A_293 = tpu.memref_slice %arg18[%dma_wait3A_291, %dma_wait3A_292] : memref<10016x128xbf16, #tpu.memory_space<vmem_shared>> -> memref<10016x128xbf16, #tpu.memory_space<vmem_shared>>
    tpu.wait_indirect_dma semaphore(%arg29 : memref<!tpu.dma_semaphore, #tpu.memory_space<semaphore_mem>>) src(%arg17 : memref<128x128xbf16, #tpu.memory_space<vmem>>) dst(%dma_wait3A_293 : memref<10016x128xbf16, #tpu.memory_space<vmem_shared>>)
    %dma_wait3A_294 = arith.constant 0 : i32
    %dma_wait3A_295 = arith.constant 0 : i32
    %dma_wait3A_296 = tpu.memref_slice %arg11[%dma_wait3A_294, %dma_wait3A_295] : memref<80x128xi32, #tpu.memory_space<vmem>> -> memref<1x128xi32, #tpu.memory_space<vmem>>
    %dma_wait3A_297 = tpu.memref_squeeze %dma_wait3A_296 : memref<1x128xi32, #tpu.memory_space<vmem>> -> memref<128xi32, #tpu.memory_space<vmem>>
    %dma_wait3A_298 = arith.constant 0 : i32
    %dma_wait3A_299 = arith.constant 0 : i32
    %dma_wait3A_300 = tpu.memref_slice %arg19[%dma_wait3A_298, %dma_wait3A_299] : memref<10016x32xbf16, #tpu.memory_space<vmem_shared>> -> memref<10016x32xbf16, #tpu.memory_space<vmem_shared>>
    tpu.wait_indirect_dma semaphore(%arg34 : memref<!tpu.dma_semaphore, #tpu.memory_space<semaphore_mem>>) src(%arg12 : memref<128x32xbf16, #tpu.memory_space<vmem>>) dst(%dma_wait3A_300 : memref<10016x32xbf16, #tpu.memory_space<vmem_shared>>)
    %barrier3A_301 = arith.constant 0 : index
    tpu.barrier barrier_id(%barrier3A_301)
    %mul3A_302 = arith.constant 626 : i32
    %mul3A_303 = arith.muli %arg1, %mul3A_302 : i32
    "tpu.region"() ({
      %run_scoped3A = tpu.sem_alloc : memref<!tpu.dma_semaphore, #tpu.memory_space<semaphore_mem>>
      %dma_start3A_304 = arith.constant 0 : i32
      %dma_start3A_305 = arith.constant 0 : i32
      %dma_start3A_306 = tpu.memref_slice %arg8[%arg0, %dma_start3A_304, %dma_start3A_305] : memref<2x10016x128xbf16, #tpu.memory_space<hbm>> -> memref<1x10016x128xbf16, #tpu.memory_space<hbm>>
      %dma_start3A_307 = tpu.memref_squeeze %dma_start3A_306 : memref<1x10016x128xbf16, #tpu.memory_space<hbm>> -> memref<10016x128xbf16, #tpu.memory_space<hbm>>
      %dma_start3A_308 = arith.constant 0 : i32
      %dma_start3A_309 = tpu.memref_slice %dma_start3A_307[%mul3A_303, %dma_start3A_308] : memref<10016x128xbf16, #tpu.memory_space<hbm>> -> memref<626x128xbf16, #tpu.memory_space<hbm>>
      %dma_start3A_310 = arith.constant 0 : i32
      %dma_start3A_311 = tpu.memref_slice %arg18[%mul3A_303, %dma_start3A_310] : memref<10016x128xbf16, #tpu.memory_space<vmem_shared>> -> memref<626x128xbf16, #tpu.memory_space<vmem_shared>>
      tpu.enqueue_dma source(%dma_start3A_311 : memref<626x128xbf16, #tpu.memory_space<vmem_shared>>) target(%dma_start3A_309 : memref<626x128xbf16, #tpu.memory_space<hbm>>) target_semaphore(%run_scoped3A : memref<!tpu.dma_semaphore, #tpu.memory_space<semaphore_mem>>)
      %dma_wait3A_312 = arith.constant 0 : i32
      %dma_wait3A_313 = arith.constant 0 : i32
      %dma_wait3A_314 = tpu.memref_slice %arg8[%arg0, %dma_wait3A_312, %dma_wait3A_313] : memref<2x10016x128xbf16, #tpu.memory_space<hbm>> -> memref<1x10016x128xbf16, #tpu.memory_space<hbm>>
      %dma_wait3A_315 = tpu.memref_squeeze %dma_wait3A_314 : memref<1x10016x128xbf16, #tpu.memory_space<hbm>> -> memref<10016x128xbf16, #tpu.memory_space<hbm>>
      %dma_wait3A_316 = arith.constant 0 : i32
      %dma_wait3A_317 = tpu.memref_slice %dma_wait3A_315[%mul3A_303, %dma_wait3A_316] : memref<10016x128xbf16, #tpu.memory_space<hbm>> -> memref<626x128xbf16, #tpu.memory_space<hbm>>
      %dma_wait3A_318 = arith.constant 0 : i32
      %dma_wait3A_319 = tpu.memref_slice %arg18[%mul3A_303, %dma_wait3A_318] : memref<10016x128xbf16, #tpu.memory_space<vmem_shared>> -> memref<626x128xbf16, #tpu.memory_space<vmem_shared>>
      tpu.wait_dma2 semaphore(%run_scoped3A : memref<!tpu.dma_semaphore, #tpu.memory_space<semaphore_mem>>) src(%dma_wait3A_319 : memref<626x128xbf16, #tpu.memory_space<vmem_shared>>) dst(%dma_wait3A_317 : memref<626x128xbf16, #tpu.memory_space<hbm>>)
      tpu.yield
    }) : () -> ()
    "tpu.region"() ({
      %run_scoped3A = tpu.sem_alloc : memref<!tpu.dma_semaphore, #tpu.memory_space<semaphore_mem>>
      %dma_start3A_304 = arith.constant 0 : i32
      %dma_start3A_305 = arith.constant 0 : i32
      %dma_start3A_306 = tpu.memref_slice %arg9[%arg0, %dma_start3A_304, %dma_start3A_305] : memref<2x10016x32xbf16, #tpu.memory_space<hbm>> -> memref<1x10016x32xbf16, #tpu.memory_space<hbm>>
      %dma_start3A_307 = tpu.memref_squeeze %dma_start3A_306 : memref<1x10016x32xbf16, #tpu.memory_space<hbm>> -> memref<10016x32xbf16, #tpu.memory_space<hbm>>
      %dma_start3A_308 = arith.constant 0 : i32
      %dma_start3A_309 = tpu.memref_slice %dma_start3A_307[%mul3A_303, %dma_start3A_308] : memref<10016x32xbf16, #tpu.memory_space<hbm>> -> memref<626x32xbf16, #tpu.memory_space<hbm>>
      %dma_start3A_310 = arith.constant 0 : i32
      %dma_start3A_311 = tpu.memref_slice %arg19[%mul3A_303, %dma_start3A_310] : memref<10016x32xbf16, #tpu.memory_space<vmem_shared>> -> memref<626x32xbf16, #tpu.memory_space<vmem_shared>>
      tpu.enqueue_dma source(%dma_start3A_311 : memref<626x32xbf16, #tpu.memory_space<vmem_shared>>) target(%dma_start3A_309 : memref<626x32xbf16, #tpu.memory_space<hbm>>) target_semaphore(%run_scoped3A : memref<!tpu.dma_semaphore, #tpu.memory_space<semaphore_mem>>)
      %dma_wait3A_312 = arith.constant 0 : i32
      %dma_wait3A_313 = arith.constant 0 : i32
      %dma_wait3A_314 = tpu.memref_slice %arg9[%arg0, %dma_wait3A_312, %dma_wait3A_313] : memref<2x10016x32xbf16, #tpu.memory_space<hbm>> -> memref<1x10016x32xbf16, #tpu.memory_space<hbm>>
      %dma_wait3A_315 = tpu.memref_squeeze %dma_wait3A_314 : memref<1x10016x32xbf16, #tpu.memory_space<hbm>> -> memref<10016x32xbf16, #tpu.memory_space<hbm>>
      %dma_wait3A_316 = arith.constant 0 : i32
      %dma_wait3A_317 = tpu.memref_slice %dma_wait3A_315[%mul3A_303, %dma_wait3A_316] : memref<10016x32xbf16, #tpu.memory_space<hbm>> -> memref<626x32xbf16, #tpu.memory_space<hbm>>
      %dma_wait3A_318 = arith.constant 0 : i32
      %dma_wait3A_319 = tpu.memref_slice %arg19[%mul3A_303, %dma_wait3A_318] : memref<10016x32xbf16, #tpu.memory_space<vmem_shared>> -> memref<626x32xbf16, #tpu.memory_space<vmem_shared>>
      tpu.wait_dma2 semaphore(%run_scoped3A : memref<!tpu.dma_semaphore, #tpu.memory_space<semaphore_mem>>) src(%dma_wait3A_319 : memref<626x32xbf16, #tpu.memory_space<vmem_shared>>) dst(%dma_wait3A_317 : memref<626x32xbf16, #tpu.memory_space<hbm>>)
      tpu.yield
    }) : () -> ()
    return
  }
}

module attributes {stable_mosaic.version = 14 : i64} {
  func.func @_prep_body(%arg0: memref<10000x128xf32, #tpu.memory_space<vmem>>, %arg1: memref<128x128xf32, #tpu.memory_space<vmem>>, %arg2: memref<10000x1xi32, #tpu.memory_space<vmem>>, %arg3: memref<10000x128xbf16, #tpu.memory_space<vmem>>, %arg4: memref<8x128xf32, #tpu.memory_space<vmem>>, %arg5: memref<8x128xf32, #tpu.memory_space<vmem>>) attributes {dimension_semantics = [], scalar_prefetch = 0 : i64, scratch_operands = 0 : i64, tpu.core_type = #tpu.core_type<tc>} {
    %get3A = arith.constant 0 : index
    %get3A_0 = arith.constant 0 : index
    %get3A_1 = vector.load %arg0[%get3A, %get3A_0] : memref<10000x128xf32, #tpu.memory_space<vmem>>, vector<10000x128xf32>
    %get3A_2 = arith.constant 0 : index
    %get3A_3 = arith.constant 0 : index
    %get3A_4 = vector.load %arg1[%get3A_2, %get3A_3] : memref<128x128xf32, #tpu.memory_space<vmem>>, vector<128x128xf32>
    %dot_general3A = arith.constant dense<0.000000e+00> : vector<10000x128xf32>
    %dot_general3A_5 = tpu.matmul %get3A_1, %get3A_4, %dot_general3A {dimension_numbers = #tpu.dot_dimension_numbers<[1], [0], [0], [1], [0, 0, 1, 1], [], []>, transpose_lhs_hint = false} : vector<10000x128xf32>, vector<128x128xf32>, vector<10000x128xf32> -> vector<10000x128xf32>
    %convert_element_type3A = arith.truncf %dot_general3A_5 : vector<10000x128xf32> to vector<10000x128xbf16>
    %swap3A = arith.constant 0 : index
    %swap3A_6 = arith.constant 0 : index
    %swap3A_7 = vector.load %arg3[%swap3A, %swap3A_6] : memref<10000x128xbf16, #tpu.memory_space<vmem>>, vector<10000x128xbf16>
    tpu.vector_store %arg3[%swap3A, %swap3A_6], %convert_element_type3A {strides = array<i32>} : memref<10000x128xbf16, #tpu.memory_space<vmem>>, vector<10000x128xbf16>,
    %get3A_8 = arith.constant 0 : index
    %get3A_9 = arith.constant 0 : index
    %get3A_10 = vector.load %arg2[%get3A_8, %get3A_9] : memref<10000x1xi32, #tpu.memory_space<vmem>>, vector<10000x1xi32>
    %iota3A = tpu.iota {dimensions = array<i32: 1>} : vector<1x8xi32>
    %eq3A = vector.broadcast %get3A_10 : vector<10000x1xi32> to vector<10000x8xi32>
    %eq3A_11 = vector.broadcast %iota3A : vector<1x8xi32> to vector<10000x8xi32>
    %eq3A_12 = arith.cmpi eq, %eq3A, %eq3A_11 : vector<10000x8xi32>
    %convert_element_type3A_13 = arith.extui %eq3A_12 : vector<10000x8xi1> to vector<10000x8xi32>
    %convert_element_type3A_14 = arith.sitofp %convert_element_type3A_13 : vector<10000x8xi32> to vector<10000x8xf32>
    %dot_general3A_15 = arith.constant dense<0.000000e+00> : vector<8x128xf32>
    %dot_general3A_16 = tpu.matmul %convert_element_type3A_14, %get3A_1, %dot_general3A_15 {dimension_numbers = #tpu.dot_dimension_numbers<[0], [0], [1], [1], [0, 1, 1, 1], [], []>, transpose_lhs_hint = false} : vector<10000x8xf32>, vector<10000x128xf32>, vector<8x128xf32> -> vector<8x128xf32>
    %swap3A_17 = arith.constant 0 : index
    %swap3A_18 = arith.constant 0 : index
    %swap3A_19 = vector.load %arg4[%swap3A_17, %swap3A_18] : memref<8x128xf32, #tpu.memory_space<vmem>>, vector<8x128xf32>
    tpu.vector_store %arg4[%swap3A_17, %swap3A_18], %dot_general3A_16 {strides = array<i32>} : memref<8x128xf32, #tpu.memory_space<vmem>>, vector<8x128xf32>,
    %broadcast_in_dim3A = arith.constant 1.000000e+00 : f32
    %broadcast_in_dim3A_20 = vector.broadcast %broadcast_in_dim3A : f32 to vector<10000x128xf32>
    %dot_general3A_21 = arith.constant dense<0.000000e+00> : vector<8x128xf32>
    %dot_general3A_22 = tpu.matmul %convert_element_type3A_14, %broadcast_in_dim3A_20, %dot_general3A_21 {dimension_numbers = #tpu.dot_dimension_numbers<[0], [0], [1], [1], [0, 1, 1, 1], [], []>, transpose_lhs_hint = false} : vector<10000x8xf32>, vector<10000x128xf32>, vector<8x128xf32> -> vector<8x128xf32>
    %swap3A_23 = arith.constant 0 : index
    %swap3A_24 = arith.constant 0 : index
    %swap3A_25 = vector.load %arg5[%swap3A_23, %swap3A_24] : memref<8x128xf32, #tpu.memory_space<vmem>>, vector<8x128xf32>
    tpu.vector_store %arg5[%swap3A_23, %swap3A_24], %dot_general3A_22 {strides = array<i32>} : memref<8x128xf32, #tpu.memory_space<vmem>>, vector<8x128xf32>,
    return
  }
}

module attributes {stable_mosaic.version = 14 : i64} {
  func.func @_epi_body(%arg0: memref<2x10016x128xbf16, #tpu.memory_space<vmem>>, %arg1: memref<2x10016x32xbf16, #tpu.memory_space<vmem>>, %arg2: memref<10000x1xi32, #tpu.memory_space<vmem>>, %arg3: memref<8x128xf32, #tpu.memory_space<vmem>>, %arg4: memref<8x128xf32, #tpu.memory_space<vmem>>, %arg5: memref<128x128xf32, #tpu.memory_space<vmem>>, %arg6: memref<128x128xf32, #tpu.memory_space<vmem>>, %arg7: memref<128x128xf32, #tpu.memory_space<vmem>>, %arg8: memref<128x128xf32, #tpu.memory_space<vmem>>, %arg9: memref<256x128xf32, #tpu.memory_space<vmem>>, %arg10: memref<1x128xf32, #tpu.memory_space<vmem>>) attributes {dimension_semantics = [], scalar_prefetch = 0 : i64, scratch_operands = 0 : i64, tpu.core_type = #tpu.core_type<tc>} {
    %get3A = arith.constant 0 : index
    %get3A_0 = arith.constant 0 : index
    %get3A_1 = vector.load %arg3[%get3A, %get3A_0] : memref<8x128xf32, #tpu.memory_space<vmem>>, vector<8x128xf32>
    %get3A_2 = arith.constant 0 : index
    %get3A_3 = arith.constant 0 : index
    %get3A_4 = vector.load %arg4[%get3A_2, %get3A_3] : memref<8x128xf32, #tpu.memory_space<vmem>>, vector<8x128xf32>
    %max3A = arith.constant 1.000000e+00 : f32
    %max3A_5 = vector.broadcast %max3A : f32 to vector<8x128xf32>
    %max3A_6 = arith.maximumf %get3A_4, %max3A_5 : vector<8x128xf32>
    %div3A = arith.divf %get3A_1, %max3A_6 : vector<8x128xf32>
    %get3A_7 = arith.constant 0 : index
    %get3A_8 = arith.constant 0 : index
    %get3A_9 = vector.load %arg5[%get3A_7, %get3A_8] : memref<128x128xf32, #tpu.memory_space<vmem>>, vector<128x128xf32>
    %dot_general3A = arith.constant dense<0.000000e+00> : vector<8x128xf32>
    %dot_general3A_10 = tpu.matmul %div3A, %get3A_9, %dot_general3A {dimension_numbers = #tpu.dot_dimension_numbers<[1], [0], [0], [1], [0, 0, 1, 1], [], []>, transpose_lhs_hint = false} : vector<8x128xf32>, vector<128x128xf32>, vector<8x128xf32> -> vector<8x128xf32>
    %max3A_11 = arith.constant 0.000000e+00 : f32
    %max3A_12 = vector.broadcast %max3A_11 : f32 to vector<8x128xf32>
    %max3A_13 = arith.maximumf %dot_general3A_10, %max3A_12 : vector<8x128xf32>
    %get3A_14 = arith.constant 0 : index
    %get3A_15 = arith.constant 0 : index
    %get3A_16 = vector.load %arg7[%get3A_14, %get3A_15] : memref<128x128xf32, #tpu.memory_space<vmem>>, vector<128x128xf32>
    %dot_general3A_17 = arith.constant dense<0.000000e+00> : vector<8x128xf32>
    %dot_general3A_18 = tpu.matmul %max3A_13, %get3A_16, %dot_general3A_17 {dimension_numbers = #tpu.dot_dimension_numbers<[1], [0], [0], [1], [0, 0, 1, 1], [], []>, transpose_lhs_hint = false} : vector<8x128xf32>, vector<128x128xf32>, vector<8x128xf32> -> vector<8x128xf32>
    %get3A_19 = arith.constant 0 : index
    %get3A_20 = arith.constant 0 : index
    %get3A_21 = vector.load %arg6[%get3A_19, %get3A_20] : memref<128x128xf32, #tpu.memory_space<vmem>>, vector<128x128xf32>
    %dot_general3A_22 = arith.constant dense<0.000000e+00> : vector<8x128xf32>
    %dot_general3A_23 = tpu.matmul %div3A, %get3A_21, %dot_general3A_22 {dimension_numbers = #tpu.dot_dimension_numbers<[1], [0], [0], [1], [0, 0, 1, 1], [], []>, transpose_lhs_hint = false} : vector<8x128xf32>, vector<128x128xf32>, vector<8x128xf32> -> vector<8x128xf32>
    %reduce_sum3A = arith.constant dense<0.000000e+00> : vector<128xf32>
    %reduce_sum3A_24 = vector.multi_reduction <add>, %max3A_13, %reduce_sum3A [0] : vector<8x128xf32> to vector<128xf32>
    %broadcast_in_dim3A = vector.shape_cast %reduce_sum3A_24 : vector<128xf32> to vector<1x128xf32>
    %sub3A = vector.broadcast %broadcast_in_dim3A : vector<1x128xf32> to vector<8x128xf32>
    %sub3A_25 = arith.subf %sub3A, %max3A_13 : vector<8x128xf32>
    %div3A_26 = arith.constant 7.000000e+00 : f32
    %div3A_27 = vector.broadcast %div3A_26 : f32 to vector<8x128xf32>
    %div3A_28 = arith.divf %sub3A_25, %div3A_27 : vector<8x128xf32>
    %get3A_29 = arith.constant 0 : index
    %get3A_30 = arith.constant 0 : index
    %get3A_31 = vector.load %arg8[%get3A_29, %get3A_30] : memref<128x128xf32, #tpu.memory_space<vmem>>, vector<128x128xf32>
    %dot_general3A_32 = arith.constant dense<0.000000e+00> : vector<8x128xf32>
    %dot_general3A_33 = tpu.matmul %div3A_28, %get3A_31, %dot_general3A_32 {dimension_numbers = #tpu.dot_dimension_numbers<[1], [0], [0], [1], [0, 0, 1, 1], [], []>, transpose_lhs_hint = false} : vector<8x128xf32>, vector<128x128xf32>, vector<8x128xf32> -> vector<8x128xf32>
    %add3A = arith.addf %dot_general3A_23, %dot_general3A_33 : vector<8x128xf32>
    %max3A_34 = arith.constant 0.000000e+00 : f32
    %max3A_35 = vector.broadcast %max3A_34 : f32 to vector<8x128xf32>
    %max3A_36 = arith.maximumf %add3A, %max3A_35 : vector<8x128xf32>
    %add3A_37 = arith.addf %max3A_13, %max3A_36 : vector<8x128xf32>
    %reduce_sum3A_38 = arith.constant dense<0.000000e+00> : vector<128xf32>
    %reduce_sum3A_39 = vector.multi_reduction <add>, %add3A_37, %reduce_sum3A_38 [0] : vector<8x128xf32> to vector<128xf32>
    %broadcast_in_dim3A_40 = vector.shape_cast %reduce_sum3A_39 : vector<128xf32> to vector<1x128xf32>
    %div3A_41 = arith.constant 8.000000e+00 : f32
    %div3A_42 = vector.broadcast %div3A_41 : f32 to vector<1x128xf32>
    %div3A_43 = arith.divf %broadcast_in_dim3A_40, %div3A_42 : vector<1x128xf32>
    %get3A_44 = arith.constant 0 : index
    %get3A_45 = arith.constant 0 : index
    %get3A_46 = arith.constant 0 : index
    %get3A_47 = vector.load %arg0[%get3A_44, %get3A_45, %get3A_46] : memref<2x10016x128xbf16, #tpu.memory_space<vmem>>, vector<1x10000x128xbf16>
    %get3A_48 = vector.shape_cast %get3A_47 : vector<1x10000x128xbf16> to vector<10000x128xbf16>
    %convert_element_type3A = arith.extf %get3A_48 : vector<10000x128xbf16> to vector<10000x128xf32>
    %get3A_49 = arith.constant 1 : index
    %get3A_50 = arith.constant 0 : index
    %get3A_51 = arith.constant 0 : index
    %get3A_52 = vector.load %arg0[%get3A_49, %get3A_50, %get3A_51] : memref<2x10016x128xbf16, #tpu.memory_space<vmem>>, vector<1x10000x128xbf16>
    %get3A_53 = vector.shape_cast %get3A_52 : vector<1x10000x128xbf16> to vector<10000x128xbf16>
    %convert_element_type3A_54 = arith.extf %get3A_53 : vector<10000x128xbf16> to vector<10000x128xf32>
    %add3A_55 = arith.addf %convert_element_type3A, %convert_element_type3A_54 : vector<10000x128xf32>
    %get3A_56 = arith.constant 0 : index
    %get3A_57 = arith.constant 0 : index
    %get3A_58 = arith.constant 0 : index
    %get3A_59 = vector.load %arg1[%get3A_56, %get3A_57, %get3A_58] : memref<2x10016x32xbf16, #tpu.memory_space<vmem>>, vector<1x10000x1xbf16>
    %get3A_60 = vector.shape_cast %get3A_59 : vector<1x10000x1xbf16> to vector<10000x1xbf16>
    %convert_element_type3A_61 = arith.extf %get3A_60 : vector<10000x1xbf16> to vector<10000x1xf32>
    %get3A_62 = arith.constant 1 : index
    %get3A_63 = arith.constant 0 : index
    %get3A_64 = arith.constant 0 : index
    %get3A_65 = vector.load %arg1[%get3A_62, %get3A_63, %get3A_64] : memref<2x10016x32xbf16, #tpu.memory_space<vmem>>, vector<1x10000x1xbf16>
    %get3A_66 = vector.shape_cast %get3A_65 : vector<1x10000x1xbf16> to vector<10000x1xbf16>
    %convert_element_type3A_67 = arith.extf %get3A_66 : vector<10000x1xbf16> to vector<10000x1xf32>
    %add3A_68 = arith.addf %convert_element_type3A_61, %convert_element_type3A_67 : vector<10000x1xf32>
    %max3A_69 = arith.constant 1.000000e+00 : f32
    %max3A_70 = vector.broadcast %max3A_69 : f32 to vector<10000x1xf32>
    %max3A_71 = arith.maximumf %add3A_68, %max3A_70 : vector<10000x1xf32>
    %div3A_72 = vector.broadcast %max3A_71 : vector<10000x1xf32> to vector<10000x128xf32>
    %div3A_73 = arith.divf %add3A_55, %div3A_72 : vector<10000x128xf32>
    %get3A_74 = arith.constant 0 : index
    %get3A_75 = arith.constant 0 : index
    %get3A_76 = vector.load %arg2[%get3A_74, %get3A_75] : memref<10000x1xi32, #tpu.memory_space<vmem>>, vector<10000x1xi32>
    %iota3A = tpu.iota {dimensions = array<i32: 1>} : vector<1x8xi32>
    %eq3A = vector.broadcast %get3A_76 : vector<10000x1xi32> to vector<10000x8xi32>
    %eq3A_77 = vector.broadcast %iota3A : vector<1x8xi32> to vector<10000x8xi32>
    %eq3A_78 = arith.cmpi eq, %eq3A, %eq3A_77 : vector<10000x8xi32>
    %convert_element_type3A_79 = arith.extui %eq3A_78 : vector<10000x8xi1> to vector<10000x8xi32>
    %convert_element_type3A_80 = arith.sitofp %convert_element_type3A_79 : vector<10000x8xi32> to vector<10000x8xf32>
    %dot_general3A_81 = arith.constant dense<0.000000e+00> : vector<10000x128xf32>
    %dot_general3A_82 = tpu.matmul %convert_element_type3A_80, %dot_general3A_18, %dot_general3A_81 {dimension_numbers = #tpu.dot_dimension_numbers<[1], [0], [0], [1], [0, 0, 1, 1], [], []>, transpose_lhs_hint = false} : vector<10000x8xf32>, vector<8x128xf32>, vector<10000x128xf32> -> vector<10000x128xf32>
    %add3A_83 = arith.addf %div3A_73, %dot_general3A_82 : vector<10000x128xf32>
    %max3A_84 = arith.constant 0.000000e+00 : f32
    %max3A_85 = vector.broadcast %max3A_84 : f32 to vector<10000x128xf32>
    %max3A_86 = arith.maximumf %add3A_83, %max3A_85 : vector<10000x128xf32>
    %reduce_sum3A_87 = arith.constant dense<0.000000e+00> : vector<128xf32>
    %reduce_sum3A_88 = vector.multi_reduction <add>, %max3A_86, %reduce_sum3A_87 [0] : vector<10000x128xf32> to vector<128xf32>
    %broadcast_in_dim3A_89 = vector.shape_cast %reduce_sum3A_88 : vector<128xf32> to vector<1x128xf32>
    %reduce_sum3A_90 = arith.constant dense<0.000000e+00> : vector<128xf32>
    %reduce_sum3A_91 = vector.multi_reduction <add>, %get3A_1, %reduce_sum3A_90 [0] : vector<8x128xf32> to vector<128xf32>
    %broadcast_in_dim3A_92 = vector.shape_cast %reduce_sum3A_91 : vector<128xf32> to vector<1x128xf32>
    %div3A_93 = arith.constant 1.000000e+04 : f32
    %div3A_94 = vector.broadcast %div3A_93 : f32 to vector<1x128xf32>
    %div3A_95 = arith.divf %broadcast_in_dim3A_92, %div3A_94 : vector<1x128xf32>
    %div3A_96 = arith.constant 1.000000e+04 : f32
    %div3A_97 = vector.broadcast %div3A_96 : f32 to vector<1x128xf32>
    %div3A_98 = arith.divf %broadcast_in_dim3A_89, %div3A_97 : vector<1x128xf32>
    %add3A_99 = arith.addf %div3A_95, %div3A_98 : vector<1x128xf32>
    %concatenate3A = tpu.concatenate %add3A_99, %div3A_43 in 1 : vector<1x128xf32>, vector<1x128xf32> -> vector<1x256xf32>
    %get3A_100 = arith.constant 0 : index
    %get3A_101 = arith.constant 0 : index
    %get3A_102 = vector.load %arg9[%get3A_100, %get3A_101] : memref<256x128xf32, #tpu.memory_space<vmem>>, vector<256x128xf32>
    %dot_general3A_103 = arith.constant dense<0.000000e+00> : vector<1x128xf32>
    %dot_general3A_104 = tpu.matmul %concatenate3A, %get3A_102, %dot_general3A_103 {dimension_numbers = #tpu.dot_dimension_numbers<[1], [0], [0], [1], [0, 0, 1, 1], [], []>, transpose_lhs_hint = false} : vector<1x256xf32>, vector<256x128xf32>, vector<1x128xf32> -> vector<1x128xf32>
    %swap3A = arith.constant 0 : index
    %swap3A_105 = arith.constant 0 : index
    %swap3A_106 = vector.load %arg10[%swap3A, %swap3A_105] : memref<1x128xf32, #tpu.memory_space<vmem>>, vector<1x128xf32>
    tpu.vector_store %arg10[%swap3A, %swap3A_105], %dot_general3A_104 {strides = array<i32>} : memref<1x128xf32, #tpu.memory_space<vmem>>, vector<1x128xf32>,
    return
  }
}

</mosaic_0001>

<sc_bundles>
// kernel: edge_agg_sc.3.cloned.1.call-start
scs
__scs_entry_jumppad:
0x0: {  	(pc) =	sbr.rel $0x88, $3  }
0x1: {  	(tag) =	ssettag $0x0;
	lr =	simm.s32 $0x1  }
0x2: {  	[smem:$0x3F98] =	sst lr;
	_ =	strace $0xD0000000  }
0x3: {  	_ = 	snop  }
0x4: {  	_ = 	snop  }
0x5: {  	_ = 	snop  }
0x6: {  	_ = 	snop  }
0x7: {  	_ = 	snop  }
__scs_overlays_trampoline_lowered:
0x8: {  	[smem:$0x3FA7] =	sst s0  }
0x9: {  	[smem:$0x3FA8] =	sst s1  }
0xa: {  	[smem:$0x3FA9] =	sst s2  }
0xb: {  	[smem:$0x3FAA] =	sst s3  }
0xc: {  	[smem:$0x3FAB] =	sst s4  }
0xd: {  	[smem:$0x3FAC] =	sst s5  }
0xe: {  	[smem:$0x3FAD] =	sst s6  }
0xf: {  	[smem:$0x3FAE] =	sst s7  }
0x10: {  	[smem:$0x3FAF] =	sst s8  }
0x11: {  	[smem:$0x3FB0] =	sst s9;
	s0 =	simm.s32 @!p0 $0x0  }
0x12: {  	s1 =	sld [smem:$0x3F96];
	s0 =	simm.s32 @p0 $0x1  }
0x13: {  	[smem:$0x3FB1] =	sst s0;
	s0 =	simm.s32 @!p1 $0x0  }
0x14: {  	s2 =	sld [smem:$0x3F95];
	s0 =	simm.s32 @p1 $0x1  }
0x15: {  	[smem:$0x3FB2] =	sst s0;
	s0 =	simm.s32 @!p2 $0x0  }
0x16: {  	s3 =	sld [smem:$0x3FDB];
	s0 =	simm.s32 @p2 $0x1  }
0x17: {  	s4 =	simm.s32 $0x1BF5;
	[smem:$0x3FB4] =	sst s0  }
0x18: {  	s0 =	sld [smem:$0x3F97];
	_ =	swait.ge [sflag:s4], $0x0  }
0x19: {  	s7 =	sld [smem:$0x3F98]  }
0x1a: {  	s8 =	sadd.s32 $0xFFFFE003, lr  }
0x1b: {  	s9 =	sadd.s32 $0xFFFFFEF7, lr;
	s5 =	simm.s32 $0xFFFFFFFF;
	p2 =	slt.u32 s8, $0xFFFFF086  }
0x1c: {  	p1 =	slt.u32 s9, $0xF7A;
	s5 =	simm.s32 @!p2 $0x0  }
0x1d: {  	s5 =	simm.s32 @p1 $0x1;
	p0 =	seq.s32 s7, s2  }
0x1e: {  	s7 =	smul.u32 @!p0 $0xF7A, s2;
	p2 =	seq.s32 @!p0 s5, $0x0  }
0x1f: {  	s9 =	smul.u32 $0xF7A, s1;
	s8 =	simm.s32 @!p0 $0x1BF5;
	p2 =	por !p2, p0  }
0x20: {  	[sflag:s8] =	ssyncset.s32 @!p0 $0xFFFFF086;
	s6 =	sadd.s32 @!p0 s3, s7;
	s7 =	simm.s32 @!p0 $0x108  }
0x21: {  	s3 =	sadd.s32 s3, s9;
	s6 =	sadd.s32 @!p0 $0x88, s6;
	s7 =	simm.s32 @p2 $0x1082  }
0x22: {  	[simem:s7], [sflag:s8] =	dma.local @!p0 [hbm:s6], $0xF7A  }
0x23: {  	s9 =	sor.u32 $0xD0000000, s2;
	s6 =	simm.s32 $0x108;
	_ =	swait.ge @!p0 [sflag:s8], $0x0  }
0x24: {  	s3 =	sadd.s32 $0x88, s3;
	s6 =	simm.s32 @!p1 $0x1082;
	[sflag:s4] =	ssyncset.s32 $0xFFFFF086  }
0x25: {  	[simem:s6], [sflag:s4] =	dma.local [hbm:s3], $0xF7A  }
0x26: {  	[smem:$0x3F98] =	sst s1;
	(tag) =	ssettag s2;
	_ =	strace s9  }
0x27: {  	s1 =	sld [smem:$0x3FA8]  }
0x28: {  	s2 =	sld [smem:$0x3FA9]  }
0x29: {  	s4 =	sld [smem:$0x3FAB]  }
0x2a: {  	p0 =	seq.s32 s5, $0x0;
	s5 =	sld [smem:$0x3FAC]  }
0x2b: {  	s6 =	sld [smem:$0x3FAD]  }
0x2c: {  	s7 =	sld [smem:$0x3FAE]  }
0x2d: {  	s3 =	simm.s32 $0x108;
	s8 =	sld [smem:$0x3FAF]  }
0x2e: {  	s3 =	simm.s32 @!p0 $0x1082;
	s9 =	sld [smem:$0x3FB0]  }
0x2f: {  	lr =	sadd.s32 s0, s3;
	s0 =	sld [smem:$0x3FA7]  }
0x30: {  	s3 =	sld [smem:$0x3FAA]  }
0x31: {  	[smem:$0x3FB3] =	sst s10  }
0x32: {  	s10 =	sld [smem:$0x3FB1];
	_ =	sdelay $0x3  }
0x33: {  	p0 =	seq.s32 s10, $0x1;
	s10 =	sld [smem:$0x3FB3];
	_ =	sdelay $0x3  }
0x34: {  	[smem:$0x3FB3] =	sst s10  }
0x35: {  	s10 =	sld [smem:$0x3FB2];
	_ =	sdelay $0x3  }
0x36: {  	p1 =	seq.s32 s10, $0x1;
	s10 =	sld [smem:$0x3FB3];
	_ =	sdelay $0x3  }
0x37: {  	[smem:$0x3FB3] =	sst s10  }
0x38: {  	s10 =	sld [smem:$0x3FB4]  }
0x39: {  	_ = 	snop;
	(pc) =	sbr.ind lr, $3  }
0x3a: {  	_ = 	snop  }
0x3b: {  	_ = 	snop  }
0x3c: {  	p2 =	seq.s32 s10, $0x1;
	s10 =	sld [smem:$0x3FB3]  }
0x3d: {  	_ =	shalt  }
0x3e: {  	_ =	shalt  }
0x3f: {  	_ =	shalt  }
0x40: {  	_ =	shalt  }
0x41: {  	_ =	shalt  }
0x42: {  	_ =	shalt  }
0x43: {  	_ =	shalt  }
0x44: {  	_ =	shalt  }
0x45: {  	_ =	shalt  }
0x46: {  	_ =	shalt  }
0x47: {  	_ =	shalt  }
0x48: {  	_ =	shalt  }
0x49: {  	_ =	shalt  }
0x4a: {  	_ =	shalt  }
0x4b: {  	_ =	shalt  }
0x4c: {  	_ =	shalt  }
0x4d: {  	_ =	shalt  }
0x4e: {  	_ =	shalt  }
0x4f: {  	_ =	shalt  }
0x50: {  	_ =	shalt  }
0x51: {  	_ =	shalt  }
0x52: {  	_ =	shalt  }
0x53: {  	_ =	shalt  }
0x54: {  	_ =	shalt  }
0x55: {  	_ =	shalt  }
0x56: {  	_ =	shalt  }
0x57: {  	_ =	shalt  }
0x58: {  	_ =	shalt  }
0x59: {  	_ =	shalt  }
0x5a: {  	_ =	shalt  }
0x5b: {  	_ =	shalt  }
0x5c: {  	_ =	shalt  }
0x5d: {  	_ =	shalt  }
0x5e: {  	_ =	shalt  }
0x5f: {  	_ =	shalt  }
0x60: {  	_ =	shalt  }
0x61: {  	_ =	shalt  }
0x62: {  	_ =	shalt  }
0x63: {  	_ =	shalt  }
0x64: {  	_ =	shalt  }
0x65: {  	_ =	shalt  }
0x66: {  	_ =	shalt  }
0x67: {  	_ =	shalt  }
0x68: {  	_ =	shalt  }
0x69: {  	_ =	shalt  }
0x6a: {  	_ =	shalt  }
0x6b: {  	_ =	shalt  }
0x6c: {  	_ =	shalt  }
0x6d: {  	_ =	shalt  }
0x6e: {  	_ =	shalt  }
0x6f: {  	_ =	shalt  }
0x70: {  	_ =	shalt  }
0x71: {  	_ =	shalt  }
0x72: {  	_ =	shalt  }
0x73: {  	_ =	shalt  }
0x74: {  	_ =	shalt  }
0x75: {  	_ =	shalt  }
0x76: {  	_ =	shalt  }
0x77: {  	_ =	shalt  }
0x78: {  	_ =	shalt  }
0x79: {  	_ =	shalt  }
0x7a: {  	_ =	shalt  }
0x7b: {  	_ =	shalt  }
0x7c: {  	_ =	shalt  }
0x7d: {  	_ =	shalt  }
0x7e: {  	_ =	shalt  }
0x7f: {  	_ =	shalt  }
0x80: {  	_ =	shalt  }
0x81: {  	_ =	shalt  }
0x82: {  	_ =	shalt  }
0x83: {  	_ =	shalt  }
0x84: {  	_ =	shalt  }
0x85: {  	_ =	shalt  }
0x86: {  	_ =	shalt  }
0x87: {  	_ =	shalt  }
.Lfunc_end0:
.L_simem_size_0:
called_computation_lowered:
.L_overlay_start_0:
0x88: {  	s2 =	sld [smem:$0x3FD9]  }
0x89: {  	s3 =	sld [smem:$0x3FFE];
	_ =	sdelay $0x1  }
0x8a: {  	s1 =	srdreg.scid  }
0x8b: {  	s0 =	sand.u32 $0x1, s1  }
0x8c: {  	s16 =	sshll.u32 s0, $0xA;
	s2 =	sadd.s32 s3, s2  }
0x8d: {  	s2 =	sadd.s32 s2, s16  }
0x8e: {  	[smem:$0x3FBF] =	sst s2  }
0x8f: {  	_ = 	snop  }
0x90: {  	(tm) =	ssettm $0x1  }
0x91: {  	s17 =	sld [smem:$0x3FFB];
	_ =	sdelay $0x3  }
0x92: {  	_ =	strace s17  }
0x93: {  	s2 =	sld [smem:$0x3FFC];
	_ =	sdelay $0x3  }
0x94: {  	_ =	strace s2  }
0x95: {  	s2 =	sld [smem:$0x3FFD];
	_ =	sdelay $0x3  }
0x96: {  	_ =	strace s2  }
0x97: {  	_ =	strace $0x8FFFFFFF  }
0x98: {  	s18 =	sld [smem:$0x3FDB];
	_ =	sdelay $0x1  }
0x99: {  	s19 =	simm.s32 $_scs_section_size  }
0x9a: {  	s4 =	simm.s32 $_size__tile_overlayer_lowered;
	s5 =	simm.s32 $_tile_overlayer_lowered  }
0x9b: {  	s22 =	simm.s32 $0x1BFF;
	s21 =	sshll.u32 s5, $0x1;
	s2 =	sadd.s32 s19, s18  }
0x9c: {  	s6 =	simm.s32 $0x0;
	s20 =	sshll.u32 s4, $0x1;
	s4 =	sadd.s32 s21, s2  }
0x9d: {  	[timem:s6], [sflag:s22] =	dma.local [hbm:s4], s20  }
0x9e: {  	_ =	swait.ge [sflag:s22], s20  }
0x9f: {  	s3 =	ssub.s32 $0x0, s20;
	[sflag:s22] =	ssyncset.done $0x0  }
0xa0: {  	[sflag:s22] =	ssyncadd.s32 s3;
	_ =	sdelay $0x1  }
0xa1: {  	s23 =	simm.s32 $0x1B8B  }
0xa2: {  	_ =	swait.ge [sflag:s23], $0x1  }
0xa3: {  	[sflag:s23] =	ssyncset.done $0x0  }
0xa4: {  	s25 =	simm.s32 $0x1B8E;
	s24 =	sld [smem:$0x3FFE];
	[sflag:s23] =	ssyncadd.s32 $0xFFFFFFFF  }
0xa5: {  	s26 =	simm.s32 $execute0_lowered;
	[smem:$0x3FD2] =	sst s25  }
0xa6: {  	s4 =	sshll.u32 s26, $0x1;
	_ =	strace $0x80000046;
	[dreg:$0x1] =	wrdreg $0xFFFFFFFF  }
0xa7: {  	s28 =	simm.s32 $_size_execute0_lowered;
	s2 =	sadd.s32 s2, s4;
	[dreg:$0x0] =	wrdreg $0x0  }
0xa8: {  	s4 =	sshll.u32 s28, $0x1;
	[dreg:$0x2] =	wrdreg s2  }
0xa9: {  	[dreg:$0x3] =	wrdreg s4  }
0xaa: {  	[dreg:$0x4] =	wrdreg $0xC0  }
0xab: {  	_ =	task [dreg:s6], $0x5FFFF  }
0xac: {  	[dreg:$0x1] =	wrdreg $0xFFFFFFFF  }
0xad: {  	[dreg:$0x0] =	wrdreg $0x60  }
0xae: {  	[dreg:$0x2] =	wrdreg s24  }
0xaf: {  	[dreg:$0x3] =	wrdreg $0xF8000  }
0xb0: {  	[dreg:$0x4] =	wrdreg $0x194800  }
0xb1: {  	[dreg:$0x5] =	wrdreg $0x9  }
0xb2: {  	_ =	task.clear_ibuf [dreg:s6], $0x6FFFF;
	_ =	strace $0x90000046  }
0xb3: {  	s29 =	simm.s32 $0x9;
	_ =	strace $0x80000048  }
0xb4: {  	_ =	swait.ge [sflag:s29], $0x1  }
0xb5: {  	[sflag:s29] =	ssyncadd.s32 $0xFFFFFFFF  }
0xb6: {  	_ =	strace $0x90000048  }
0xb7: {  	_ =	sfence  }
0xb8: {  	s30 =	sld [smem:$0x0];
	_ =	sdelay $0x2  }
0xb9: {  	s31 =	sshll.u32 s1, $0xD;
	s1 =	sshrl.u32 s1, $0x2  }
0xba: {  	s3 =	sand.u32 $0x4000, s31;
	s1 =	sadd.s32 s1, s30  }
0xbb: {  	s0 =	sor.u32 s3, s0;
	s1 =	sshll.u32 s1, $0x11  }
0xbc: {  	s0 =	sor.u32 s1, s0  }
0xbd: {  	s0 =	sadd.s32 $0x8F2B, s0  }
0xbe: {  	[sflag:s0] =	ssyncadd.remote.s32 $0x1  }
0xbf: {  	_ =	sfence.sel $0xFFFF  }
0xc0: {  	[dreg:$0x0] =	wrdreg $0xFFFFFFFF;
	(pc) =	sbr.abs _section_cstart, $3  }
0xc1: {  	[dreg:$0x1] =	wrdreg $0xFFFFFFFF  }
0xc2: {  	_ =	task.clear_ibuf [dreg:s6], $0x2FFFF;
	_ =	strace $0x9FFFFFFF  }
0xc3: {  	(tm) =	ssettm $0x7FFFFFFF  }
tec
execute0_lowered:
.L_overlay_start_1:
0x0: {  	(tag) =	ssettag $0x1  }
0x1: {  	s0 =	rddreg [dreg:$0x0]  }
0x2: {  	s1 =	rddreg [dreg:$0x1]  }
0x3: {  	s2 =	rddreg [dreg:$0x2];
	s4 =	simm.s32 $0x0;
	s3 =	srdreg.scid  }
0x4: {  	s11 =	stileid.u32;
	s14 =	simm.s32 $0x10;
	s28 =	simm.s32 $0xB800  }
0x5: {  	s29 =	simm.s32 $0x1;
	s31 =	simm.s32 $0xD800;
	s30 =	simm.s32 $0xB  }
0x6: {  	[smem:$0x7FF] =	sst s4;
	s3 =	sand.u32 $0x1, s3;
	s6 =	sshll.u32 s11, $0x4  }
0x7: {  	s5 =	sadd.s32 $0x3600, s0;
	s7 =	sadd.s32 $0x2200, s0;
	s18 =	smul.u32 $0x13900, s11  }
0x8: {  	s8 =	sadd.s32 $0x1C00, s0;
	s9 =	sadd.s32 $0x1A00, s0;
	s10 =	smul.u32 $0x4E40, s11  }
0x9: {  	s21 =	sshll.u32 s11, $0x6;
	_ =	strace $0x80000047;
	[dreg:$0x4] =	wrdreg s7  }
0xa: {  	s15 =	sshll.u32 s3, $0x8;
	s16 =	smul.u32 $0x13900, s3;
	[dreg:$0x5] =	wrdreg s8  }
0xb: {  	s17 =	smul.u32 $0x4E40, s3;
	s3 =	ssub.s32 $0x2, s3;
	[dreg:$0x6] =	wrdreg s9  }
0xc: {  	s9 =	sor.u32 $0x1C10, s21;
	s21 =	simm.s32 $0x7800;
	s8 =	simm.s32 $0xC  }
0xd: {  	s4 =	sor.u32 s6, s15;
	s19 =	sshrl.u32 s3, $0x1;
	s20 =	sshrl.u32 s18, $0x1  }
0xe: {  	s22 =	sshrl.u32 s10, $0x1;
	s24 =	sshrl.u32 s18, $0x4;
	s25 =	sshrl.u32 s10, $0x4  }
0xf: {  	s10 =	simm.s32 $0x4;
	s18 =	simm.s32 $0xD;
	s4 =	sadd.s32 s4, s0  }
0x10: {  	s6 =	sadd.s32 s16, s0;
	s0 =	sadd.s32 s17, s0;
	s3 =	ssub.s32 s3, s19  }
0x11: {  	s7 =	sadd.s32 s20, s1;
	s11 =	sadd.s32 s22, s2;
	s16 =	simm.s32 $0x5000  }
0x12: {  	s17 =	simm.s32 $0x80;
	s20 =	simm.s32 $0x5800;
	s22 =	simm.s32 $0x5  }
0x13: {  	s12 =	sadd.s32 $0x21000, s4;
	s4 =	sadd.s32 $0x17000, s4;
	s23 =	sadd.s32 $0x2B000, s6  }
0x14: {  	s0 =	sadd.s32 $0x52200, s0;
	s3 =	smax.u32 s3, $0x1;
	s15 =	sshrl.u32 s7, $0x3  }
0x15: {  	s19 =	sshrl.u32 s11, $0x3;
	s7 =	simm.s32 $0x7;
	[dreg:$0x7] =	wrdreg s12  }
0x16: {  	s6 =	simm.s32 $0xE;
	s11 =	simm.s32 $0xA;
	[dreg:$0x8] =	wrdreg s4  }
.Ltmp0:
0x17: {  	[dreg:$0x9] =	wrdreg s3;
	s26 =	sadd.s32 s24, s23;
	(pc) =	sbr.rel .LBB2_1-.Ltmp0, $4  }
0x18: {  	s0 =	sadd.s32 s25, s0;
	s25 =	simm.s32 $0x9800;
	[dreg:$0xa] =	wrdreg s15  }
0x19: {  	s12 =	simm.s32 $0x8;
	s3 =	simm.s32 $0x9;
	[dreg:$0xb] =	wrdreg s19  }
0x1a: {  	s24 =	simm.s32 $0xF;
	s4 =	simm.s32 $0x0;
	[dreg:$0xc] =	wrdreg s26  }
0x1b: {  	[dreg:$0xd] =	wrdreg s0;
	s0 =	simm.s32 $0x2;
	s26 =	simm.s32 $0x6  }
.LBB2_4:
0x1c: {  	_ =	swait.ge [sflag:s22], $0x2000  }
0x1d: {  	[sflag:s22] =	ssyncset.done $0x0  }
0x1e: {  	[sflag:s22] =	ssyncadd.s32 $0xFFFFE000  }
0x1f: {  	[spmem:s1] =	stream.indirect.scatter.add.bf16 [tilespmem:s31], [sflag:$0xA], $0x40, s13, s17, $0xb8;
	[tilespmem:$0x1BBA0] =	vst v63  }
0x20: {  	s26 =	simm.s32 $0x6  }
0x21: {  	[spmem:s2] =	stream.indirect.scatter.add.bf16 [tilespmem:s16], [sflag:$0xF], $0x10, s13, s17, $0xb8;
	[tilespmem:$0x1BBA0] =	vst v63  }
0x22: {  	_ =	swait.ge [sflag:s26], $0x2000  }
0x23: {  	[sflag:s26] =	ssyncset.done $0x0  }
0x24: {  	s30 =	simm.s32 $0xB;
	[sflag:s26] =	ssyncadd.s32 $0xFFFFE000  }
0x25: {  	_ =	swait.ge [sflag:s30], $0x800  }
0x26: {  	[sflag:s30] =	ssyncset.done $0x0  }
0x27: {  	[sflag:s30] =	ssyncadd.s32 $0xFFFFF800  }
0x28: {  	_ =	swait.ge [sflag:s7], $0x2000  }
0x29: {  	[sflag:s7] =	ssyncset.done $0x0  }
0x2a: {  	[sflag:s7] =	ssyncadd.s32 $0xFFFFE000  }
0x2b: {  	_ =	swait.ge [sflag:s8], $0x800  }
0x2c: {  	[sflag:s8] =	ssyncset.done $0x0  }
0x2d: {  	[sflag:s8] =	ssyncadd.s32 $0xFFFFF800  }
0x2e: {  	_ =	swait.ge [sflag:s12], $0x2000  }
0x2f: {  	[sflag:s12] =	ssyncset.done $0x0  }
0x30: {  	[sflag:s12] =	ssyncadd.s32 $0xFFFFE000  }
0x31: {  	_ =	swait.ge [sflag:s18], $0x800  }
0x32: {  	[sflag:s18] =	ssyncset.done $0x0  }
0x33: {  	[sflag:s18] =	ssyncadd.s32 $0xFFFFF800  }
0x34: {  	_ =	swait.ge [sflag:s3], $0x2000  }
0x35: {  	[sflag:s3] =	ssyncset.done $0x0  }
0x36: {  	[sflag:s3] =	ssyncadd.s32 $0xFFFFE000  }
0x37: {  	_ =	swait.ge [sflag:s6], $0x800  }
0x38: {  	[sflag:s6] =	ssyncset.done $0x0  }
0x39: {  	[sflag:s6] =	ssyncadd.s32 $0xFFFFF800  }
0x3a: {  	_ =	swait.ge [sflag:s11], $0x2000  }
0x3b: {  	[sflag:s11] =	ssyncset.done $0x0  }
0x3c: {  	[sflag:s11] =	ssyncadd.s32 $0xFFFFE000  }
0x3d: {  	_ =	swait.ge [sflag:s24], $0x800  }
0x3e: {  	[sflag:s24] =	ssyncset.done $0x0  }
0x3f: {  	[sflag:s24] =	ssyncadd.s32 $0xFFFFF800  }
0x40: {  	[bflag:$0x0] =	sbarrier.arrive $0xFFFF  }
0x41: {  	s15 =	rddreg [dreg:$0xa]  }
0x42: {  	s19 =	rddreg [dreg:$0xc]  }
0x43: {  	[hbm:s19], [sflag:s9] =	dma.local [spmem:s15], $0x1390  }
0x44: {  	_ =	swait.ge [sflag:s14], $0x1390  }
0x45: {  	[sflag:s14] =	ssyncset.done $0x0;
	s19 =	rddreg [dreg:$0xb]  }
0x46: {  	s23 =	rddreg [dreg:$0xd];
	[sflag:s14] =	ssyncadd.s32 $0xFFFFEC70  }
0x47: {  	[hbm:s23], [sflag:s9] =	dma.local [spmem:s19], $0x4E4  }
0x48: {  	_ =	swait.ge [sflag:s14], $0x4E4  }
0x49: {  	s4 =	sadd.s32 $0x1, s4;
	s23 =	rddreg [dreg:$0x9]  }
0x4a: {  	p0 =	sne.s32 s4, s23  }
.Ltmp1:
0x4b: {  	_ = 	snop;
	(pc) =	sbr.rel @!p0 .LBB2_5-.Ltmp1, $3  }
0x4c: {  	_ =	sdelay $0x1  }
0x4d: {  	[sflag:s14] =	ssyncset.done $0x0  }
0x4e: {  	[sflag:s14] =	ssyncadd.s32 $0xFFFFFB1C  }
.LBB2_1:
0x4f: {  	s13 =	rddreg [dreg:$0x4]  }
0x50: {  	[spmem:s15], [sflag:s9] =	dma.local [hbm:s13], $0x1390  }
0x51: {  	_ =	swait.ge [sflag:s14], $0x1390  }
0x52: {  	[sflag:s14] =	ssyncset.done $0x0  }
0x53: {  	s15 =	rddreg [dreg:$0x5];
	[sflag:s14] =	ssyncadd.s32 $0xFFFFEC70  }
0x54: {  	[spmem:s19], [sflag:s9] =	dma.local [hbm:s15], $0x4E4  }
0x55: {  	_ =	swait.ge [sflag:s14], $0x4E4  }
0x56: {  	[sflag:s14] =	ssyncset.done $0x0  }
0x57: {  	s13 =	simm.s32 $0x0;
	s19 =	rddreg [dreg:$0x6];
	[sflag:s14] =	ssyncadd.s32 $0xFFFFFB1C  }
0x58: {  	[tilespmem:s16], [sflag:$0x10] =	stream.linear.gather [hbm4b:s19+s13], $0x800, $0x38;
	[tilespmem:$0x1BBA0] =	vst v63  }
0x59: {  	_ =	swait.ge [sflag:s14], $0x800  }
0x5a: {  	[sflag:s14] =	ssyncset.done $0x0  }
0x5b: {  	s19 =	simm.s32 $0x1000;
	s23 =	rddreg [dreg:$0x7];
	[sflag:s14] =	ssyncadd.s32 $0xFFFFF800  }
0x5c: {  	[tilespmem:s13], [sflag:$0x10] =	stream.strided.gather [hbm4b:s23+s17], $0x2800, s19, s17, $0x38;
	[tilespmem:$0x1BBA0] =	vst v63  }
0x5d: {  	_ =	swait.ge [sflag:s14], $0x2800  }
0x5e: {  	[sflag:s14] =	ssyncset.done $0x0  }
0x5f: {  	s23 =	simm.s32 $0x2800;
	s15 =	rddreg [dreg:$0x8];
	[sflag:s14] =	ssyncadd.s32 $0xFFFFD800  }
0x60: {  	[tilespmem:s23], [sflag:$0x10] =	stream.strided.gather [hbm4b:s15+s17], $0x2800, s19, s17, $0x38;
	[tilespmem:$0x1BBA0] =	vst v63  }
0x61: {  	_ =	swait.ge [sflag:s14], $0x2800  }
0x62: {  	[sflag:s14] =	ssyncset.done $0x0  }
0x63: {  	[sflag:s14] =	ssyncadd.s32 $0xFFFFD800  }
0x64: {  	[bflag:$0x0] =	sbarrier.arrive $0xFFFF  }
0x65: {  	[tilespmem:s20], [sflag:$0x1] =	stream.indirect.gather [hbm4b:s5+s17], $0x40, s13, s17, $0xb8;
	[tilespmem:$0x1BBA0] =	vst v63  }
0x66: {  	_ = 	snop  }
0x67: {  	[tilespmem:s21], [sflag:$0x2] =	stream.indirect.gather [hbm4b:s5+s17], $0x40, s17, s17, $0xb8;
	[tilespmem:$0x1BBA0] =	vst v63  }
0x68: {  	s15 =	simm.s32 $0x100  }
0x69: {  	[tilespmem:s25], [sflag:$0x3] =	stream.indirect.gather [hbm4b:s5+s17], $0x40, s15, s17, $0xb8;
	[tilespmem:$0x1BBA0] =	vst v63  }
0x6a: {  	s19 =	simm.s32 $0x180  }
0x6b: {  	[tilespmem:s28], [sflag:$0x4] =	stream.indirect.gather [hbm4b:s5+s17], $0x40, s19, s17, $0xb8;
	[tilespmem:$0x1BBA0] =	vst v63  }
0x6c: {  	_ =	swait.ge [sflag:s29], $0x2000  }
0x6d: {  	[sflag:s29] =	ssyncset.done $0x0  }
0x6e: {  	[sflag:s29] =	ssyncadd.s32 $0xFFFFE000  }
0x6f: {  	[spmem:s1] =	stream.indirect.scatter.add.bf16 [tilespmem:s20], [sflag:$0x6], $0x40, s23, s17, $0xb8;
	[tilespmem:$0x1BBA0] =	vst v63  }
0x70: {  	_ = 	snop  }
0x71: {  	[spmem:s2] =	stream.indirect.scatter.add.bf16 [tilespmem:s16], [sflag:$0xB], $0x10, s23, s17, $0xb8;
	[tilespmem:$0x1BBA0] =	vst v63  }
0x72: {  	s15 =	simm.s32 $0x200  }
0x73: {  	[tilespmem:s31], [sflag:$0x5] =	stream.indirect.gather [hbm4b:s5+s17], $0x40, s15, s17, $0xb8;
	[tilespmem:$0x1BBA0] =	vst v63  }
0x74: {  	_ =	swait.ge [sflag:s0], $0x2000  }
0x75: {  	[sflag:s0] =	ssyncset.done $0x0  }
0x76: {  	s19 =	simm.s32 $0x2880;
	[sflag:s0] =	ssyncadd.s32 $0xFFFFE000  }
0x77: {  	[spmem:s1] =	stream.indirect.scatter.add.bf16 [tilespmem:s21], [sflag:$0x7], $0x40, s19, s17, $0xb8;
	[tilespmem:$0x1BBA0] =	vst v63  }
0x78: {  	_ = 	snop  }
0x79: {  	[spmem:s2] =	stream.indirect.scatter.add.bf16 [tilespmem:s16], [sflag:$0xC], $0x10, s19, s17, $0xb8;
	[tilespmem:$0x1BBA0] =	vst v63  }
0x7a: {  	_ =	swait.ge [sflag:s26], $0x2000  }
0x7b: {  	[sflag:s26] =	ssyncset.done $0x0  }
0x7c: {  	[sflag:s26] =	ssyncadd.s32 $0xFFFFE000  }
0x7d: {  	_ =	swait.ge [sflag:s30], $0x800  }
0x7e: {  	[sflag:s30] =	ssyncset.done $0x0  }
0x7f: {  	s23 =	simm.s32 $0x280;
	s26 =	simm.s32 $0x3;
	[sflag:s30] =	ssyncadd.s32 $0xFFFFF800  }
0x80: {  	[tilespmem:s20], [sflag:$0x1] =	stream.indirect.gather [hbm4b:s5+s17], $0x40, s23, s17, $0xb8;
	[tilespmem:$0x1BBA0] =	vst v63  }
0x81: {  	_ =	swait.ge [sflag:s26], $0x2000  }
0x82: {  	[sflag:s26] =	ssyncset.done $0x0  }
0x83: {  	s30 =	simm.s32 $0x2900;
	[sflag:s26] =	ssyncadd.s32 $0xFFFFE000  }
0x84: {  	[spmem:s1] =	stream.indirect.scatter.add.bf16 [tilespmem:s25], [sflag:$0x8], $0x40, s30, s17, $0xb8;
	[tilespmem:$0x1BBA0] =	vst v63  }
0x85: {  	_ = 	snop  }
0x86: {  	[spmem:s2] =	stream.indirect.scatter.add.bf16 [tilespmem:s16], [sflag:$0xD], $0x10, s30, s17, $0xb8;
	[tilespmem:$0x1BBA0] =	vst v63  }
0x87: {  	_ =	swait.ge [sflag:s7], $0x2000  }
0x88: {  	[sflag:s7] =	ssyncset.done $0x0  }
0x89: {  	[sflag:s7] =	ssyncadd.s32 $0xFFFFE000  }
0x8a: {  	_ =	swait.ge [sflag:s8], $0x800  }
0x8b: {  	[sflag:s8] =	ssyncset.done $0x0  }
0x8c: {  	s15 =	simm.s32 $0x300;
	[sflag:s8] =	ssyncadd.s32 $0xFFFFF800  }
0x8d: {  	[tilespmem:s21], [sflag:$0x2] =	stream.indirect.gather [hbm4b:s5+s17], $0x40, s15, s17, $0xb8;
	[tilespmem:$0x1BBA0] =	vst v63  }
0x8e: {  	_ =	swait.ge [sflag:s10], $0x2000  }
0x8f: {  	[sflag:s10] =	ssyncset.done $0x0  }
0x90: {  	s19 =	simm.s32 $0x2980;
	[sflag:s10] =	ssyncadd.s32 $0xFFFFE000  }
0x91: {  	[spmem:s1] =	stream.indirect.scatter.add.bf16 [tilespmem:s28], [sflag:$0x9], $0x40, s19, s17, $0xb8;
	[tilespmem:$0x1BBA0] =	vst v63  }
0x92: {  	_ = 	snop  }
0x93: {  	[spmem:s2] =	stream.indirect.scatter.add.bf16 [tilespmem:s16], [sflag:$0xE], $0x10, s19, s17, $0xb8;
	[tilespmem:$0x1BBA0] =	vst v63  }
0x94: {  	_ =	swait.ge [sflag:s12], $0x2000  }
0x95: {  	[sflag:s12] =	ssyncset.done $0x0  }
0x96: {  	[sflag:s12] =	ssyncadd.s32 $0xFFFFE000  }
0x97: {  	_ =	swait.ge [sflag:s18], $0x800  }
0x98: {  	[sflag:s18] =	ssyncset.done $0x0  }
0x99: {  	s23 =	simm.s32 $0x380;
	[sflag:s18] =	ssyncadd.s32 $0xFFFFF800  }
0x9a: {  	[tilespmem:s25], [sflag:$0x3] =	stream.indirect.gather [hbm4b:s5+s17], $0x40, s23, s17, $0xb8;
	[tilespmem:$0x1BBA0] =	vst v63  }
0x9b: {  	_ =	swait.ge [sflag:s22], $0x2000  }
0x9c: {  	[sflag:s22] =	ssyncset.done $0x0  }
0x9d: {  	s26 =	simm.s32 $0x2A00;
	[sflag:s22] =	ssyncadd.s32 $0xFFFFE000  }
0x9e: {  	[spmem:s1] =	stream.indirect.scatter.add.bf16 [tilespmem:s31], [sflag:$0xA], $0x40, s26, s17, $0xb8;
	[tilespmem:$0x1BBA0] =	vst v63  }
0x9f: {  	_ = 	snop  }
0xa0: {  	[spmem:s2] =	stream.indirect.scatter.add.bf16 [tilespmem:s16], [sflag:$0xF], $0x10, s26, s17, $0xb8;
	[tilespmem:$0x1BBA0] =	vst v63  }
0xa1: {  	_ =	swait.ge [sflag:s3], $0x2000  }
0xa2: {  	[sflag:s3] =	ssyncset.done $0x0  }
0xa3: {  	[sflag:s3] =	ssyncadd.s32 $0xFFFFE000  }
0xa4: {  	_ =	swait.ge [sflag:s6], $0x800  }
0xa5: {  	[sflag:s6] =	ssyncset.done $0x0  }
0xa6: {  	s30 =	simm.s32 $0x400;
	s19 =	simm.s32 $0x0;
	[sflag:s6] =	ssyncadd.s32 $0xFFFFF800  }
0xa7: {  	[tilespmem:s28], [sflag:$0x4] =	stream.indirect.gather [hbm4b:s5+s17], $0x40, s30, s17, $0xb8;
	[tilespmem:$0x1BBA0] =	vst v63  }
.LBB2_2:
0xa8: {  	_ =	swait.ge [sflag:s29], $0x2000  }
0xa9: {  	s30 =	sshra.s32 s19, $0x2;
	[sflag:s29] =	ssyncset.done $0x0  }
0xaa: {  	s13 =	sadd.s32 $0x2A80, s30;
	[sflag:s29] =	ssyncadd.s32 $0xFFFFE000  }
0xab: {  	[spmem:s1] =	stream.indirect.scatter.add.bf16 [tilespmem:s20], [sflag:$0x6], $0x40, s13, s17, $0xb8;
	[tilespmem:$0x1BBA0] =	vst v63  }
0xac: {  	_ = 	snop  }
0xad: {  	[spmem:s2] =	stream.indirect.scatter.add.bf16 [tilespmem:s16], [sflag:$0xB], $0x10, s13, s17, $0xb8;
	[tilespmem:$0x1BBA0] =	vst v63  }
0xae: {  	_ =	swait.ge [sflag:s11], $0x2000  }
0xaf: {  	[sflag:s11] =	ssyncset.done $0x0  }
0xb0: {  	[sflag:s11] =	ssyncadd.s32 $0xFFFFE000  }
0xb1: {  	_ =	swait.ge [sflag:s24], $0x800  }
0xb2: {  	[sflag:s24] =	ssyncset.done $0x0  }
0xb3: {  	s15 =	sadd.s32 $0x480, s30;
	[sflag:s24] =	ssyncadd.s32 $0xFFFFF800  }
0xb4: {  	[tilespmem:s31], [sflag:$0x5] =	stream.indirect.gather [hbm4b:s5+s17], $0x40, s15, s17, $0xb8;
	[tilespmem:$0x1BBA0] =	vst v63  }
0xb5: {  	_ =	swait.ge [sflag:s0], $0x2000  }
0xb6: {  	[sflag:s0] =	ssyncset.done $0x0  }
0xb7: {  	p0 =	seq.s32 s19, $0x8C00;
	s23 =	sadd.s32 $0x2B00, s30;
	[sflag:s0] =	ssyncadd.s32 $0xFFFFE000  }
0xb8: {  	[spmem:s1] =	stream.indirect.scatter.add.bf16 [tilespmem:s21], [sflag:$0x7], $0x40, s23, s17, $0xb8;
	[tilespmem:$0x1BBA0] =	vst v63  }
0xb9: {  	s13 =	simm.s32 @p0 $0x3  }
0xba: {  	[spmem:s2] =	stream.indirect.scatter.add.bf16 [tilespmem:s16], [sflag:$0xC], $0x10, s23, s17, $0xb8;
	[tilespmem:$0x1BBA0] =	vst v63  }
0xbb: {  	_ =	swait.ge @p0 [sflag:s13], $0x2000  }
0xbc: {  	[sflag:s13] =	ssyncset.done @p0 $0x0  }
0xbd: {  	[sflag:s13] =	ssyncadd.s32 @p0 $0xFFFFE000;
	s13 =	sshra.s32 @p0 s19, $0x2  }
0xbe: {  	s15 =	simm.s32 @p0 $0x80;
	s23 =	simm.s32 @p0 $0x9800;
	s13 =	sadd.s32 @p0 $0x2B80, s13  }
0xbf: {  	[spmem:s1] =	stream.indirect.scatter.add.bf16 @p0 [tilespmem:s23], [sflag:$0x8], $0x40, s13, s15, $0xb8;
	[tilespmem:$0x1BBA0] =	vst v63  }
0xc0: {  	s23 =	simm.s32 @p0 $0x5000  }
0xc1: {  	[spmem:s2] =	stream.indirect.scatter.add.bf16 @p0 [tilespmem:s23], [sflag:$0xD], $0x10, s13, s15, $0xb8;
	[tilespmem:$0x1BBA0] =	vst v63  }
0xc2: {  	s13 =	simm.s32 @!p0 $0x6  }
0xc3: {  	_ =	swait.ge @!p0 [sflag:s13], $0x2000  }
0xc4: {  	[sflag:s13] =	ssyncset.done @!p0 $0x0  }
0xc5: {  	[sflag:s13] =	ssyncadd.s32 @!p0 $0xFFFFE000;
	s13 =	simm.s32 @!p0 $0xB  }
0xc6: {  	_ =	swait.ge @!p0 [sflag:s13], $0x800  }
0xc7: {  	[sflag:s13] =	ssyncset.done @!p0 $0x0  }
0xc8: {  	[sflag:s13] =	ssyncadd.s32 @!p0 $0xFFFFF800;
	s13 =	sshra.s32 @!p0 s19, $0x2  }
0xc9: {  	s26 =	simm.s32 @!p0 $0x5800;
	s23 =	simm.s32 @!p0 $0x80;
	s15 =	sadd.s32 @!p0 $0x500, s13  }
0xca: {  	[tilespmem:s26], [sflag:$0x1] =	stream.indirect.gather @!p0 [hbm4b:s5+s23], $0x40, s15, s23, $0xb8;
	[tilespmem:$0x1BBA0] =	vst v63  }
0xcb: {  	s15 =	simm.s32 @!p0 $0x3  }
0xcc: {  	_ =	swait.ge @!p0 [sflag:s15], $0x2000  }
0xcd: {  	[sflag:s15] =	ssyncset.done @!p0 $0x0  }
0xce: {  	s26 =	simm.s32 @!p0 $0x9800;
	[sflag:s15] =	ssyncadd.s32 @!p0 $0xFFFFE000;
	s15 =	sadd.s32 @!p0 $0x2B80, s13  }
0xcf: {  	[spmem:s1] =	stream.indirect.scatter.add.bf16 @!p0 [tilespmem:s26], [sflag:$0x8], $0x40, s15, s23, $0xb8;
	[tilespmem:$0x1BBA0] =	vst v63  }
0xd0: {  	s26 =	simm.s32 @!p0 $0x5000  }
0xd1: {  	[spmem:s2] =	stream.indirect.scatter.add.bf16 @!p0 [tilespmem:s26], [sflag:$0xD], $0x10, s15, s23, $0xb8;
	[tilespmem:$0x1BBA0] =	vst v63  }
0xd2: {  	s15 =	simm.s32 @!p0 $0x7  }
0xd3: {  	_ =	swait.ge @!p0 [sflag:s15], $0x2000  }
0xd4: {  	[sflag:s15] =	ssyncset.done @!p0 $0x0  }
0xd5: {  	[sflag:s15] =	ssyncadd.s32 @!p0 $0xFFFFE000;
	s15 =	simm.s32 @!p0 $0xC  }
0xd6: {  	_ =	swait.ge @!p0 [sflag:s15], $0x800  }
0xd7: {  	[sflag:s15] =	ssyncset.done @!p0 $0x0  }
0xd8: {  	s13 =	sadd.s32 @!p0 $0x580, s13;
	[sflag:s15] =	ssyncadd.s32 @!p0 $0xFFFFF800;
	s15 =	simm.s32 @!p0 $0x7800  }
0xd9: {  	[tilespmem:s15], [sflag:$0x2] =	stream.indirect.gather @!p0 [hbm4b:s5+s23], $0x40, s13, s23, $0xb8;
	[tilespmem:$0x1BBA0] =	vst v63  }
0xda: {  	_ =	swait.ge [sflag:s10], $0x2000  }
.Ltmp2:
0xdb: {  	[sflag:s10] =	ssyncset.done $0x0;
	(pc) =	sbr.rel @p0 .LBB2_4-.Ltmp2, $4  }
0xdc: {  	s26 =	sadd.s32 $0x2C00, s30;
	[sflag:s10] =	ssyncadd.s32 $0xFFFFE000  }
0xdd: {  	[spmem:s1] =	stream.indirect.scatter.add.bf16 [tilespmem:s28], [sflag:$0x9], $0x40, s26, s17, $0xb8;
	[tilespmem:$0x1BBA0] =	vst v63  }
0xde: {  	s13 =	sadd.s32 $0x2C80, s30  }
0xdf: {  	[spmem:s2] =	stream.indirect.scatter.add.bf16 [tilespmem:s16], [sflag:$0xE], $0x10, s26, s17, $0xb8;
	[tilespmem:$0x1BBA0] =	vst v63  }
0xe0: {  	_ =	swait.ge [sflag:s12], $0x2000  }
0xe1: {  	[sflag:s12] =	ssyncset.done $0x0  }
0xe2: {  	[sflag:s12] =	ssyncadd.s32 $0xFFFFE000  }
0xe3: {  	_ =	swait.ge [sflag:s18], $0x800  }
0xe4: {  	[sflag:s18] =	ssyncset.done $0x0  }
0xe5: {  	s15 =	sadd.s32 $0x600, s30;
	[sflag:s18] =	ssyncadd.s32 $0xFFFFF800  }
0xe6: {  	[tilespmem:s25], [sflag:$0x3] =	stream.indirect.gather [hbm4b:s5+s17], $0x40, s15, s17, $0xb8;
	[tilespmem:$0x1BBA0] =	vst v63  }
0xe7: {  	_ =	swait.ge [sflag:s22], $0x2000  }
0xe8: {  	[sflag:s22] =	ssyncset.done $0x0  }
0xe9: {  	[sflag:s22] =	ssyncadd.s32 $0xFFFFE000  }
0xea: {  	[spmem:s1] =	stream.indirect.scatter.add.bf16 [tilespmem:s31], [sflag:$0xA], $0x40, s13, s17, $0xb8;
	[tilespmem:$0x1BBA0] =	vst v63  }
0xeb: {  	_ = 	snop  }
0xec: {  	[spmem:s2] =	stream.indirect.scatter.add.bf16 [tilespmem:s16], [sflag:$0xF], $0x10, s13, s17, $0xb8;
	[tilespmem:$0x1BBA0] =	vst v63  }
0xed: {  	_ =	swait.ge [sflag:s3], $0x2000  }
0xee: {  	[sflag:s3] =	ssyncset.done $0x0  }
.Ltmp3:
0xef: {  	[sflag:s3] =	ssyncadd.s32 $0xFFFFE000;
	(pc) =	sbr.rel .LBB2_2-.Ltmp3, $4  }
0xf0: {  	_ =	swait.ge [sflag:s6], $0x800  }
0xf1: {  	[sflag:s6] =	ssyncset.done $0x0  }
0xf2: {  	s30 =	sadd.s32 $0x680, s30;
	s19 =	sadd.s32 $0xA00, s19;
	[sflag:s6] =	ssyncadd.s32 $0xFFFFF800  }
0xf3: {  	[tilespmem:s28], [sflag:$0x4] =	stream.indirect.gather [hbm4b:s5+s17], $0x40, s30, s17, $0xb8;
	[tilespmem:$0x1BBA0] =	vst v63  }
.LBB2_5:
0xf4: {  	_ =	sfence.sel $0x180000  }
0xf5: {  	[bflag:$0x0] =	sbarrier.arrive $0xFFFF  }
0xf6: {  	_ =	strace $0x90000047  }
0xf7: {  	s0 =	stileid.u32;
	[bflag:$0x2] =	sbarrier.arrive $0xFFFF  }
0xf8: {  	p0 =	sne.s32 s0, $0x0;
	s0 =	rddreg [dreg:$0x3]  }
0xf9: {  	s0 =	sadd.s32 @!p0 $0x100000, s0  }
0xfa: {  	[sflag:s0] =	ssyncadd.tile.s32 @!p0 $0x1;
	_ =	shalt  }
.Lfunc_end2:
_tile_overlayer_lowered:
.L_overlay_start_2:
0xfb: {  	(tag) =	ssettag $0x2  }
0xfc: {  	s0 =	rddreg [dreg:$0x0];
	s2 =	stileid.u32  }
0xfd: {  	s1 =	rddreg [dreg:$0x1];
	p0 =	sne.s32 s2, $0x0  }
0xfe: {  	s3 =	rddreg [dreg:$0x2];
	[bflag:$0x3] =	sbarrier.arrive $0xFFFF;
	s2 =	simm.s32 @!p0 $0x1C10  }
0xff: {  	[timem:s3], [sflag:s2] =	dma.local @!p0 [hbm:s0], s1  }
0x100: {  	s0 =	simm.s32 @!p0 $0x10  }
0x101: {  	_ =	swait.ge @!p0 [sflag:s0], s1  }
0x102: {  	s1 =	ssub.s32 @!p0 $0x0, s1;
	[sflag:s0] =	ssyncset.done @!p0 $0x0  }
0x103: {  	[sflag:s0] =	ssyncadd.s32 @!p0 s1  }
0x104: {  	[bflag:$0x3] =	sbarrier.arrive $0xFFFF  }
0x105: {  	_ =	shalt  }

</sc_bundles>
